<compile_context>
chip_gen: v7x
topology: tpu7x:2x2x1
jax: 0.10.2.dev20260603
libtpu: 0.0.44.dev20260713+nightly
codegen_flags: <defaults>
</compile_context>

<pallas_src>
import functools

import jax
import jax.numpy as jnp
from jax import lax
from jax.experimental import pallas as pl
from jax.experimental.pallas import tpu as pltpu
from jax.experimental.pallas import tpu_sc as plsc

B = 16384
D = 100
K = 100000
DB = D * B
NC = 2
NS = 16
NW = NC * NS
PER_W = DB // NW
CHUNK = 6400
N_CHUNKS = PER_W // CHUNK
LANES = 16

DPAD = 104
KPAD = 100096
DBLK = DPAD // 8
KBLK = KPAD // 128
PLANE_STRIDE = DBLK * KBLK * 1024
DBLK_STRIDE = KBLK * 1024

_mesh = plsc.VectorSubcoreMesh(core_axis_name="c", subcore_axis_name="s")


@functools.partial(
    pl.kernel,
    mesh=_mesh,
    out_type=jax.ShapeDtypeStruct((3 * DB,), jnp.float32),
    scratch_types=[
        pltpu.VMEM((CHUNK,), jnp.int32),
        pltpu.VMEM((CHUNK,), jnp.int32),
        pltpu.VMEM((CHUNK,), jnp.int32),
        pltpu.VMEM((CHUNK,), jnp.int32),
        pltpu.VMEM((CHUNK,), jnp.int32),
        pltpu.VMEM((CHUNK,), jnp.int32),
        pltpu.VMEM((CHUNK,), jnp.int32),
        pltpu.VMEM((CHUNK,), jnp.int32),
        pltpu.VMEM((CHUNK,), jnp.float32),
        pltpu.VMEM((CHUNK,), jnp.float32),
        pltpu.VMEM((CHUNK,), jnp.float32),
        pltpu.VMEM((CHUNK,), jnp.float32),
        pltpu.VMEM((CHUNK,), jnp.float32),
        pltpu.VMEM((CHUNK,), jnp.float32),
        pltpu.SemaphoreType.DMA,
        pltpu.SemaphoreType.DMA,
    ],
)
def _sc_gather(labt_hbm, table_hbm, out_hbm, lab_a, lab_b, i0_a, i1_a, i2_a,
               i0_b, i1_b, i2_b, v0_a, v1_a, v2_a, v0_b, v1_b, v2_b,
               sem_a, sem_b):
    wid = lax.axis_index("s") * NC + lax.axis_index("c")
    base = wid * PER_W

    iota = lax.iota(jnp.int32, LANES)
    bufs = ((lab_a, i0_a, i1_a, i2_a), (lab_b, i0_b, i1_b, i2_b))

    def load_and_index(ch, p):
        lab_v, i0_v, i1_v, i2_v = bufs[p]
        off = pl.multiple_of(base + ch * CHUNK, CHUNK)
        pltpu.sync_copy(labt_hbm.at[pl.ds(off, CHUNK)], lab_v)

        def idx_body(m, _):
            s = pl.ds(pl.multiple_of(m * LANES, LANES), LANES)
            pos = iota + (off + m * LANES)
            d = pos >> 14
            k = lab_v[s]
            kpart = ((k >> 7) << 10) + (k & 127)
            dpart = (d >> 3) * DBLK_STRIDE + ((d & 7) << 7)
            i0 = kpart + dpart
            i0_v[s] = i0
            i1_v[s] = i0 + PLANE_STRIDE
            i2_v[s] = i0 + 2 * PLANE_STRIDE
            return 0

        lax.fori_loop(0, CHUNK // LANES, idx_body, 0)

    vbufs = ((v0_a, v1_a, v2_a, sem_a), (v0_b, v1_b, v2_b, sem_b))

    def drain_and_store(cps, ch):
        v0_v, v1_v, v2_v, _ = vbufs[ch % 2]
        off = base + ch * CHUNK
        for cp in cps:
            cp.wait()
        pltpu.sync_copy(v0_v, out_hbm.at[pl.ds(off, CHUNK)])
        pltpu.sync_copy(v1_v, out_hbm.at[pl.ds(DB + off, CHUNK)])
        pltpu.sync_copy(v2_v, out_hbm.at[pl.ds(2 * DB + off, CHUNK)])

    load_and_index(0, 0)
    prev = None
    for ch in range(N_CHUNKS):
        p = ch % 2
        _, i0_v, i1_v, i2_v = bufs[p]
        v0_v, v1_v, v2_v, sem = vbufs[p]
        cps = (
            pltpu.async_copy(table_hbm.at[i0_v], v0_v, sem),
            pltpu.async_copy(table_hbm.at[i1_v], v1_v, sem),
            pltpu.async_copy(table_hbm.at[i2_v], v2_v, sem),
        )
        if prev is not None:
            drain_and_store(prev, ch - 1)
        if ch + 1 < N_CHUNKS:
            load_and_index(ch + 1, 1 - p)
        prev = cps
    drain_and_store(prev, N_CHUNKS - 1)


def kernel(labels, pqc_params):
    labt = jnp.transpose(labels.astype(jnp.int32)).reshape(DB)
    planes = jnp.transpose(pqc_params, (2, 0, 1))
    padded = jnp.pad(planes, ((0, 0), (0, DPAD - D), (0, KPAD - K)))
    tiles = padded.reshape(3, DBLK, 8, KBLK, 128).transpose(0, 1, 3, 2, 4)
    table = tiles.reshape(3 * PLANE_STRIDE)
    out = _sc_gather(labt, table)
    return jnp.transpose(out.reshape(3, D, B), (2, 1, 0))

# --- scband reference (transcript-rebuilt; emitter-appended) ---
"""Pipeline reference for scband-concept-pqcs-42365557408486 (READ-ONLY COPY).

The authoritative reference and input builder live on the scoring server;
editing this copy changes nothing except your own understanding.
"""

import jax, jax.numpy as jnp
import numpy as np

NUM_DOMAINS = 100
MAX_CONCEPTS = 100000
BATCH = 16384


def setup_inputs(seed: int = 0) -> dict:
    key = jax.random.key(seed)
    k1, k2 = jax.random.split(key)
    labels = jax.random.randint(k1, (BATCH, NUM_DOMAINS), 0, MAX_CONCEPTS, dtype=jnp.int32)
    # learned weight: pqc_params of shape (n_domains, max_concepts, 3)
    pqc_params = jax.random.normal(k2, (NUM_DOMAINS, MAX_CONCEPTS, 3), dtype=jnp.float32)
    return {"labels": labels, "pqc_params": pqc_params}


def reference(labels, pqc_params):
    # Faithful translation of the TF layer:
    #   labels: (B, D) int; pqc_params: (D, K, 3)
    #   indices = reshape(transpose(labels), (D, B, 1))
    #   gather_nd(pqc_params, indices, batch_dims=1) -> (D, B, 3)
    #   transpose(..., [1, 0, 2]) -> (B, D, 3)
    labels = labels.astype(jnp.int32)
    indices = jnp.transpose(labels)  # (D, B)
    gathered = jnp.take_along_axis(pqc_params, indices[:, :, None], axis=1)  # (D, B, 3)
    out = jnp.transpose(gathered, (1, 0, 2))  # (B, D, 3)
    return out

if __name__ == "__main__":
    import jax
    _d = setup_inputs()
    print(jax.jit(kernel)(*tuple(_d.values())))

</pallas_src>

<mosaic_0001>
#map = affine_map<(d0, d1) -> (0)>
module attributes {stable_mosaic.version = 14 : i64} {
  func.func @_sc_gather(%arg0: i32, %arg1: i32, %arg2: memref<1638400xi32, #tpu.memory_space<hbm>>, %arg3: memref<31229952xf32, #tpu.memory_space<hbm>>, %arg4: memref<4915200xf32, #tpu.memory_space<hbm>>, %arg5: memref<6400xi32, #tpu.memory_space<vmem>>, %arg6: memref<6400xi32, #tpu.memory_space<vmem>>, %arg7: memref<6400xi32, #tpu.memory_space<vmem>>, %arg8: memref<6400xi32, #tpu.memory_space<vmem>>, %arg9: memref<6400xi32, #tpu.memory_space<vmem>>, %arg10: memref<6400xi32, #tpu.memory_space<vmem>>, %arg11: memref<6400xi32, #tpu.memory_space<vmem>>, %arg12: memref<6400xi32, #tpu.memory_space<vmem>>, %arg13: memref<6400xf32, #tpu.memory_space<vmem>>, %arg14: memref<6400xf32, #tpu.memory_space<vmem>>, %arg15: memref<6400xf32, #tpu.memory_space<vmem>>, %arg16: memref<6400xf32, #tpu.memory_space<vmem>>, %arg17: memref<6400xf32, #tpu.memory_space<vmem>>, %arg18: memref<6400xf32, #tpu.memory_space<vmem>>, %arg19: memref<!tpu.dma_semaphore, #tpu.memory_space<semaphore_mem>>, %arg20: memref<!tpu.dma_semaphore, #tpu.memory_space<semaphore_mem>>) attributes {dimension_semantics = [#tpu.dimension_semantics<core_parallel>, #tpu.dimension_semantics<subcore_parallel>], iteration_bounds = array<i64: 2, 16>, scalar_prefetch = 0 : i64, scratch_operands = 16 : i64, tpu.core_type = #tpu.core_type<sc_vector_subcore>, window_params = [{transform_indices = #map}, {transform_indices = #map}, {transform_indices = #map}]} {
    %mul3A = arith.constant 2 : i32
    %mul3A_0 = arith.muli %arg1, %mul3A : i32
    %add3A = arith.addi %mul3A_0, %arg0 : i32
    %mul3A_1 = arith.constant 51200 : i32
    %mul3A_2 = arith.muli %add3A, %mul3A_1 : i32
    %iota3A = tpu.iota {dimensions = array<i32: 0>} : vector<16xi32>
    %add3A_3 = arith.constant 0 : i32
    %add3A_4 = arith.addi %mul3A_2, %add3A_3 : i32
    %multiple_of3A = tpu.assume_multiple %add3A_4, 6400 : i32
    "tpu.region"() ({
      %run_scoped3A = tpu.sem_alloc : memref<!tpu.dma_semaphore, #tpu.memory_space<semaphore_mem>>
      %dma_start3A_223 = tpu.memref_slice %arg2[%multiple_of3A] : memref<1638400xi32, #tpu.memory_space<hbm>> -> memref<6400xi32, #tpu.memory_space<hbm>>
      %dma_start3A_224 = tpu.memref_slice %arg2[%multiple_of3A] : memref<1638400xi32, #tpu.memory_space<hbm>> -> memref<6400xi32, #tpu.memory_space<hbm>>
      tpu.enqueue_dma source(%dma_start3A_224 : memref<6400xi32, #tpu.memory_space<hbm>>) target(%arg5 : memref<6400xi32, #tpu.memory_space<vmem>>) target_semaphore(%run_scoped3A : memref<!tpu.dma_semaphore, #tpu.memory_space<semaphore_mem>>)
      %dma_wait3A_225 = tpu.memref_slice %arg2[%multiple_of3A] : memref<1638400xi32, #tpu.memory_space<hbm>> -> memref<6400xi32, #tpu.memory_space<hbm>>
      %dma_wait3A_226 = tpu.memref_slice %arg2[%multiple_of3A] : memref<1638400xi32, #tpu.memory_space<hbm>> -> memref<6400xi32, #tpu.memory_space<hbm>>
      tpu.wait_dma2 semaphore(%run_scoped3A : memref<!tpu.dma_semaphore, #tpu.memory_space<semaphore_mem>>) src(%dma_wait3A_226 : memref<6400xi32, #tpu.memory_space<hbm>>) dst(%arg5 : memref<6400xi32, #tpu.memory_space<vmem>>)
      tpu.yield
    }) : () -> ()
    %scan3A = arith.constant 0 : i32
    %scan3A_5 = arith.constant 0 : i32
    %scan3A_6 = arith.constant 400 : i32
    %scan3A_7 = arith.addi %scan3A_5, %scan3A_6 : i32
    %scan3A_8 = arith.constant 1 : i32
    %scan3A_9 = scf.for %scan3A_223 = %scan3A_5 to %scan3A_7 step %scan3A_8 iter_args(%scan3A_224 = %scan3A) -> (i32)  : i32 {
      %mul3A_225 = arith.constant 16 : i32
      %mul3A_226 = arith.muli %scan3A_223, %mul3A_225 : i32
      %multiple_of3A_227 = tpu.assume_multiple %mul3A_226, 16 : i32
      %mul3A_228 = arith.constant 16 : i32
      %mul3A_229 = arith.muli %scan3A_223, %mul3A_228 : i32
      %add3A_230 = arith.addi %multiple_of3A, %mul3A_229 : i32
      %add3A_231 = vector.broadcast %add3A_230 : i32 to vector<16xi32>
      %add3A_232 = arith.addi %iota3A, %add3A_231 : vector<16xi32>
      %shift_right_arithmetic3A = arith.constant 14 : i32
      %shift_right_arithmetic3A_233 = vector.broadcast %shift_right_arithmetic3A : i32 to vector<16xi32>
      %shift_right_arithmetic3A_234 = arith.shrsi %add3A_232, %shift_right_arithmetic3A_233 : vector<16xi32>
      %get3A = arith.index_cast %multiple_of3A_227 : i32 to index
      %get3A_235 = tpu.vector_load %arg5[%get3A] {strides = array<i32>} : memref<6400xi32, #tpu.memory_space<vmem>>, vector<16xi32>,
      %get3A_236 = vector.shape_cast %get3A_235 : vector<16xi32> to vector<16xi32>
      %shift_right_arithmetic3A_237 = arith.constant 7 : i32
      %shift_right_arithmetic3A_238 = vector.broadcast %shift_right_arithmetic3A_237 : i32 to vector<16xi32>
      %shift_right_arithmetic3A_239 = arith.shrsi %get3A_236, %shift_right_arithmetic3A_238 : vector<16xi32>
      %shift_left3A = arith.constant 10 : i32
      %shift_left3A_240 = vector.broadcast %shift_left3A : i32 to vector<16xi32>
      %shift_left3A_241 = arith.shli %shift_right_arithmetic3A_239, %shift_left3A_240 : vector<16xi32>
      %and3A = arith.constant 127 : i32
      %and3A_242 = vector.broadcast %and3A : i32 to vector<16xi32>
      %and3A_243 = arith.andi %get3A_236, %and3A_242 : vector<16xi32>
      %add3A_244 = arith.addi %shift_left3A_241, %and3A_243 : vector<16xi32>
      %shift_right_arithmetic3A_245 = arith.constant 3 : i32
      %shift_right_arithmetic3A_246 = vector.broadcast %shift_right_arithmetic3A_245 : i32 to vector<16xi32>
      %shift_right_arithmetic3A_247 = arith.shrsi %shift_right_arithmetic3A_234, %shift_right_arithmetic3A_246 : vector<16xi32>
      %mul3A_248 = arith.constant 800768 : i32
      %mul3A_249 = vector.broadcast %mul3A_248 : i32 to vector<16xi32>
      %mul3A_250 = arith.muli %shift_right_arithmetic3A_247, %mul3A_249 : vector<16xi32>
      %and3A_251 = arith.constant 7 : i32
      %and3A_252 = vector.broadcast %and3A_251 : i32 to vector<16xi32>
      %and3A_253 = arith.andi %shift_right_arithmetic3A_234, %and3A_252 : vector<16xi32>
      %shift_left3A_254 = arith.constant 7 : i32
      %shift_left3A_255 = vector.broadcast %shift_left3A_254 : i32 to vector<16xi32>
      %shift_left3A_256 = arith.shli %and3A_253, %shift_left3A_255 : vector<16xi32>
      %add3A_257 = arith.addi %mul3A_250, %shift_left3A_256 : vector<16xi32>
      %add3A_258 = arith.addi %add3A_244, %add3A_257 : vector<16xi32>
      %swap3A = arith.index_cast %multiple_of3A_227 : i32 to index
      %swap3A_259 = tpu.vector_load %arg7[%swap3A] {strides = array<i32>} : memref<6400xi32, #tpu.memory_space<vmem>>, vector<16xi32>,
      %swap3A_260 = vector.shape_cast %swap3A_259 : vector<16xi32> to vector<16xi32>
      %swap3A_261 = vector.shape_cast %add3A_258 : vector<16xi32> to vector<16xi32>
      tpu.vector_store %arg7[%swap3A], %swap3A_261 {strides = array<i32>} : memref<6400xi32, #tpu.memory_space<vmem>>, vector<16xi32>,
      %add3A_262 = arith.constant 10409984 : i32
      %add3A_263 = vector.broadcast %add3A_262 : i32 to vector<16xi32>
      %add3A_264 = arith.addi %add3A_258, %add3A_263 : vector<16xi32>
      %swap3A_265 = arith.index_cast %multiple_of3A_227 : i32 to index
      %swap3A_266 = tpu.vector_load %arg8[%swap3A_265] {strides = array<i32>} : memref<6400xi32, #tpu.memory_space<vmem>>, vector<16xi32>,
      %swap3A_267 = vector.shape_cast %swap3A_266 : vector<16xi32> to vector<16xi32>
      %swap3A_268 = vector.shape_cast %add3A_264 : vector<16xi32> to vector<16xi32>
      tpu.vector_store %arg8[%swap3A_265], %swap3A_268 {strides = array<i32>} : memref<6400xi32, #tpu.memory_space<vmem>>, vector<16xi32>,
      %add3A_269 = arith.constant 20819968 : i32
      %add3A_270 = vector.broadcast %add3A_269 : i32 to vector<16xi32>
      %add3A_271 = arith.addi %add3A_258, %add3A_270 : vector<16xi32>
      %swap3A_272 = arith.index_cast %multiple_of3A_227 : i32 to index
      %swap3A_273 = tpu.vector_load %arg9[%swap3A_272] {strides = array<i32>} : memref<6400xi32, #tpu.memory_space<vmem>>, vector<16xi32>,
      %swap3A_274 = vector.shape_cast %swap3A_273 : vector<16xi32> to vector<16xi32>
      %swap3A_275 = vector.shape_cast %add3A_271 : vector<16xi32> to vector<16xi32>
      tpu.vector_store %arg9[%swap3A_272], %swap3A_275 {strides = array<i32>} : memref<6400xi32, #tpu.memory_space<vmem>>, vector<16xi32>,
      %scan3A_276 = arith.constant 0 : i32
      scf.yield %scan3A_276 : i32
    }
    %scan3A_10 = arith.constant 400 : i32
    %dma_start3A = arith.constant 0 : i32
    %dma_start3A_11 = tpu.memref_slice %arg3[%dma_start3A] : memref<31229952xf32, #tpu.memory_space<hbm>> -> memref<31229952xf32, #tpu.memory_space<hbm>>
    tpu.enqueue_indirect_dma source(%dma_start3A_11 : memref<31229952xf32, #tpu.memory_space<hbm>>) target(%arg13 : memref<6400xf32, #tpu.memory_space<vmem>>) offsets(%arg7 : memref<6400xi32, #tpu.memory_space<vmem>>) semaphore(%arg19 : memref<!tpu.dma_semaphore, #tpu.memory_space<semaphore_mem>>)
    %dma_start3A_12 = arith.constant 0 : i32
    %dma_start3A_13 = tpu.memref_slice %arg3[%dma_start3A_12] : memref<31229952xf32, #tpu.memory_space<hbm>> -> memref<31229952xf32, #tpu.memory_space<hbm>>
    tpu.enqueue_indirect_dma source(%dma_start3A_13 : memref<31229952xf32, #tpu.memory_space<hbm>>) target(%arg14 : memref<6400xf32, #tpu.memory_space<vmem>>) offsets(%arg8 : memref<6400xi32, #tpu.memory_space<vmem>>) semaphore(%arg19 : memref<!tpu.dma_semaphore, #tpu.memory_space<semaphore_mem>>)
    %dma_start3A_14 = arith.constant 0 : i32
    %dma_start3A_15 = tpu.memref_slice %arg3[%dma_start3A_14] : memref<31229952xf32, #tpu.memory_space<hbm>> -> memref<31229952xf32, #tpu.memory_space<hbm>>
    tpu.enqueue_indirect_dma source(%dma_start3A_15 : memref<31229952xf32, #tpu.memory_space<hbm>>) target(%arg15 : memref<6400xf32, #tpu.memory_space<vmem>>) offsets(%arg9 : memref<6400xi32, #tpu.memory_space<vmem>>) semaphore(%arg19 : memref<!tpu.dma_semaphore, #tpu.memory_space<semaphore_mem>>)
    %add3A_16 = arith.constant 6400 : i32
    %add3A_17 = arith.addi %mul3A_2, %add3A_16 : i32
    %multiple_of3A_18 = tpu.assume_multiple %add3A_17, 6400 : i32
    "tpu.region"() ({
      %run_scoped3A = tpu.sem_alloc : memref<!tpu.dma_semaphore, #tpu.memory_space<semaphore_mem>>
      %dma_start3A_223 = tpu.memref_slice %arg2[%multiple_of3A_18] : memref<1638400xi32, #tpu.memory_space<hbm>> -> memref<6400xi32, #tpu.memory_space<hbm>>
      %dma_start3A_224 = tpu.memref_slice %arg2[%multiple_of3A_18] : memref<1638400xi32, #tpu.memory_space<hbm>> -> memref<6400xi32, #tpu.memory_space<hbm>>
      tpu.enqueue_dma source(%dma_start3A_224 : memref<6400xi32, #tpu.memory_space<hbm>>) target(%arg6 : memref<6400xi32, #tpu.memory_space<vmem>>) target_semaphore(%run_scoped3A : memref<!tpu.dma_semaphore, #tpu.memory_space<semaphore_mem>>)
      %dma_wait3A_225 = tpu.memref_slice %arg2[%multiple_of3A_18] : memref<1638400xi32, #tpu.memory_space<hbm>> -> memref<6400xi32, #tpu.memory_space<hbm>>
      %dma_wait3A_226 = tpu.memref_slice %arg2[%multiple_of3A_18] : memref<1638400xi32, #tpu.memory_space<hbm>> -> memref<6400xi32, #tpu.memory_space<hbm>>
      tpu.wait_dma2 semaphore(%run_scoped3A : memref<!tpu.dma_semaphore, #tpu.memory_space<semaphore_mem>>) src(%dma_wait3A_226 : memref<6400xi32, #tpu.memory_space<hbm>>) dst(%arg6 : memref<6400xi32, #tpu.memory_space<vmem>>)
      tpu.yield
    }) : () -> ()
    %scan3A_19 = arith.constant 0 : i32
    %scan3A_20 = arith.constant 0 : i32
    %scan3A_21 = arith.constant 400 : i32
    %scan3A_22 = arith.addi %scan3A_20, %scan3A_21 : i32
    %scan3A_23 = arith.constant 1 : i32
    %scan3A_24 = scf.for %scan3A_223 = %scan3A_20 to %scan3A_22 step %scan3A_23 iter_args(%scan3A_224 = %scan3A_19) -> (i32)  : i32 {
      %mul3A_225 = arith.constant 16 : i32
      %mul3A_226 = arith.muli %scan3A_223, %mul3A_225 : i32
      %multiple_of3A_227 = tpu.assume_multiple %mul3A_226, 16 : i32
      %mul3A_228 = arith.constant 16 : i32
      %mul3A_229 = arith.muli %scan3A_223, %mul3A_228 : i32
      %add3A_230 = arith.addi %multiple_of3A_18, %mul3A_229 : i32
      %add3A_231 = vector.broadcast %add3A_230 : i32 to vector<16xi32>
      %add3A_232 = arith.addi %iota3A, %add3A_231 : vector<16xi32>
      %shift_right_arithmetic3A = arith.constant 14 : i32
      %shift_right_arithmetic3A_233 = vector.broadcast %shift_right_arithmetic3A : i32 to vector<16xi32>
      %shift_right_arithmetic3A_234 = arith.shrsi %add3A_232, %shift_right_arithmetic3A_233 : vector<16xi32>
      %get3A = arith.index_cast %multiple_of3A_227 : i32 to index
      %get3A_235 = tpu.vector_load %arg6[%get3A] {strides = array<i32>} : memref<6400xi32, #tpu.memory_space<vmem>>, vector<16xi32>,
      %get3A_236 = vector.shape_cast %get3A_235 : vector<16xi32> to vector<16xi32>
      %shift_right_arithmetic3A_237 = arith.constant 7 : i32
      %shift_right_arithmetic3A_238 = vector.broadcast %shift_right_arithmetic3A_237 : i32 to vector<16xi32>
      %shift_right_arithmetic3A_239 = arith.shrsi %get3A_236, %shift_right_arithmetic3A_238 : vector<16xi32>
      %shift_left3A = arith.constant 10 : i32
      %shift_left3A_240 = vector.broadcast %shift_left3A : i32 to vector<16xi32>
      %shift_left3A_241 = arith.shli %shift_right_arithmetic3A_239, %shift_left3A_240 : vector<16xi32>
      %and3A = arith.constant 127 : i32
      %and3A_242 = vector.broadcast %and3A : i32 to vector<16xi32>
      %and3A_243 = arith.andi %get3A_236, %and3A_242 : vector<16xi32>
      %add3A_244 = arith.addi %shift_left3A_241, %and3A_243 : vector<16xi32>
      %shift_right_arithmetic3A_245 = arith.constant 3 : i32
      %shift_right_arithmetic3A_246 = vector.broadcast %shift_right_arithmetic3A_245 : i32 to vector<16xi32>
      %shift_right_arithmetic3A_247 = arith.shrsi %shift_right_arithmetic3A_234, %shift_right_arithmetic3A_246 : vector<16xi32>
      %mul3A_248 = arith.constant 800768 : i32
      %mul3A_249 = vector.broadcast %mul3A_248 : i32 to vector<16xi32>
      %mul3A_250 = arith.muli %shift_right_arithmetic3A_247, %mul3A_249 : vector<16xi32>
      %and3A_251 = arith.constant 7 : i32
      %and3A_252 = vector.broadcast %and3A_251 : i32 to vector<16xi32>
      %and3A_253 = arith.andi %shift_right_arithmetic3A_234, %and3A_252 : vector<16xi32>
      %shift_left3A_254 = arith.constant 7 : i32
      %shift_left3A_255 = vector.broadcast %shift_left3A_254 : i32 to vector<16xi32>
      %shift_left3A_256 = arith.shli %and3A_253, %shift_left3A_255 : vector<16xi32>
      %add3A_257 = arith.addi %mul3A_250, %shift_left3A_256 : vector<16xi32>
      %add3A_258 = arith.addi %add3A_244, %add3A_257 : vector<16xi32>
      %swap3A = arith.index_cast %multiple_of3A_227 : i32 to index
      %swap3A_259 = tpu.vector_load %arg10[%swap3A] {strides = array<i32>} : memref<6400xi32, #tpu.memory_space<vmem>>, vector<16xi32>,
      %swap3A_260 = vector.shape_cast %swap3A_259 : vector<16xi32> to vector<16xi32>
      %swap3A_261 = vector.shape_cast %add3A_258 : vector<16xi32> to vector<16xi32>
      tpu.vector_store %arg10[%swap3A], %swap3A_261 {strides = array<i32>} : memref<6400xi32, #tpu.memory_space<vmem>>, vector<16xi32>,
      %add3A_262 = arith.constant 10409984 : i32
      %add3A_263 = vector.broadcast %add3A_262 : i32 to vector<16xi32>
      %add3A_264 = arith.addi %add3A_258, %add3A_263 : vector<16xi32>
      %swap3A_265 = arith.index_cast %multiple_of3A_227 : i32 to index
      %swap3A_266 = tpu.vector_load %arg11[%swap3A_265] {strides = array<i32>} : memref<6400xi32, #tpu.memory_space<vmem>>, vector<16xi32>,
      %swap3A_267 = vector.shape_cast %swap3A_266 : vector<16xi32> to vector<16xi32>
      %swap3A_268 = vector.shape_cast %add3A_264 : vector<16xi32> to vector<16xi32>
      tpu.vector_store %arg11[%swap3A_265], %swap3A_268 {strides = array<i32>} : memref<6400xi32, #tpu.memory_space<vmem>>, vector<16xi32>,
      %add3A_269 = arith.constant 20819968 : i32
      %add3A_270 = vector.broadcast %add3A_269 : i32 to vector<16xi32>
      %add3A_271 = arith.addi %add3A_258, %add3A_270 : vector<16xi32>
      %swap3A_272 = arith.index_cast %multiple_of3A_227 : i32 to index
      %swap3A_273 = tpu.vector_load %arg12[%swap3A_272] {strides = array<i32>} : memref<6400xi32, #tpu.memory_space<vmem>>, vector<16xi32>,
      %swap3A_274 = vector.shape_cast %swap3A_273 : vector<16xi32> to vector<16xi32>
      %swap3A_275 = vector.shape_cast %add3A_271 : vector<16xi32> to vector<16xi32>
      tpu.vector_store %arg12[%swap3A_272], %swap3A_275 {strides = array<i32>} : memref<6400xi32, #tpu.memory_space<vmem>>, vector<16xi32>,
      %scan3A_276 = arith.constant 0 : i32
      scf.yield %scan3A_276 : i32
    }
    %scan3A_25 = arith.constant 400 : i32
    %dma_start3A_26 = arith.constant 0 : i32
    %dma_start3A_27 = tpu.memref_slice %arg3[%dma_start3A_26] : memref<31229952xf32, #tpu.memory_space<hbm>> -> memref<31229952xf32, #tpu.memory_space<hbm>>
    tpu.enqueue_indirect_dma source(%dma_start3A_27 : memref<31229952xf32, #tpu.memory_space<hbm>>) target(%arg16 : memref<6400xf32, #tpu.memory_space<vmem>>) offsets(%arg10 : memref<6400xi32, #tpu.memory_space<vmem>>) semaphore(%arg20 : memref<!tpu.dma_semaphore, #tpu.memory_space<semaphore_mem>>)
    %dma_start3A_28 = arith.constant 0 : i32
    %dma_start3A_29 = tpu.memref_slice %arg3[%dma_start3A_28] : memref<31229952xf32, #tpu.memory_space<hbm>> -> memref<31229952xf32, #tpu.memory_space<hbm>>
    tpu.enqueue_indirect_dma source(%dma_start3A_29 : memref<31229952xf32, #tpu.memory_space<hbm>>) target(%arg17 : memref<6400xf32, #tpu.memory_space<vmem>>) offsets(%arg11 : memref<6400xi32, #tpu.memory_space<vmem>>) semaphore(%arg20 : memref<!tpu.dma_semaphore, #tpu.memory_space<semaphore_mem>>)
    %dma_start3A_30 = arith.constant 0 : i32
    %dma_start3A_31 = tpu.memref_slice %arg3[%dma_start3A_30] : memref<31229952xf32, #tpu.memory_space<hbm>> -> memref<31229952xf32, #tpu.memory_space<hbm>>
    tpu.enqueue_indirect_dma source(%dma_start3A_31 : memref<31229952xf32, #tpu.memory_space<hbm>>) target(%arg18 : memref<6400xf32, #tpu.memory_space<vmem>>) offsets(%arg12 : memref<6400xi32, #tpu.memory_space<vmem>>) semaphore(%arg20 : memref<!tpu.dma_semaphore, #tpu.memory_space<semaphore_mem>>)
    %add3A_32 = arith.constant 0 : i32
    %add3A_33 = arith.addi %mul3A_2, %add3A_32 : i32
    %dma_wait3A = arith.constant 0 : i32
    %dma_wait3A_34 = tpu.memref_slice %arg3[%dma_wait3A] : memref<31229952xf32, #tpu.memory_space<hbm>> -> memref<31229952xf32, #tpu.memory_space<hbm>>
    tpu.wait_indirect_dma semaphore(%arg19 : memref<!tpu.dma_semaphore, #tpu.memory_space<semaphore_mem>>) src(%dma_wait3A_34 : memref<31229952xf32, #tpu.memory_space<hbm>>) dst(%arg13 : memref<6400xf32, #tpu.memory_space<vmem>>)
    %dma_wait3A_35 = arith.constant 0 : i32
    %dma_wait3A_36 = tpu.memref_slice %arg3[%dma_wait3A_35] : memref<31229952xf32, #tpu.memory_space<hbm>> -> memref<31229952xf32, #tpu.memory_space<hbm>>
    tpu.wait_indirect_dma semaphore(%arg19 : memref<!tpu.dma_semaphore, #tpu.memory_space<semaphore_mem>>) src(%dma_wait3A_36 : memref<31229952xf32, #tpu.memory_space<hbm>>) dst(%arg14 : memref<6400xf32, #tpu.memory_space<vmem>>)
    %dma_wait3A_37 = arith.constant 0 : i32
    %dma_wait3A_38 = tpu.memref_slice %arg3[%dma_wait3A_37] : memref<31229952xf32, #tpu.memory_space<hbm>> -> memref<31229952xf32, #tpu.memory_space<hbm>>
    tpu.wait_indirect_dma semaphore(%arg19 : memref<!tpu.dma_semaphore, #tpu.memory_space<semaphore_mem>>) src(%dma_wait3A_38 : memref<31229952xf32, #tpu.memory_space<hbm>>) dst(%arg15 : memref<6400xf32, #tpu.memory_space<vmem>>)
    "tpu.region"() ({
      %run_scoped3A = tpu.sem_alloc : memref<!tpu.dma_semaphore, #tpu.memory_space<semaphore_mem>>
      %dma_start3A_223 = tpu.memref_slice %arg4[%add3A_33] : memref<4915200xf32, #tpu.memory_space<hbm>> -> memref<6400xf32, #tpu.memory_space<hbm>>
      %dma_start3A_224 = tpu.memref_slice %arg4[%add3A_33] : memref<4915200xf32, #tpu.memory_space<hbm>> -> memref<6400xf32, #tpu.memory_space<hbm>>
      tpu.enqueue_dma source(%arg13 : memref<6400xf32, #tpu.memory_space<vmem>>) target(%dma_start3A_224 : memref<6400xf32, #tpu.memory_space<hbm>>) target_semaphore(%run_scoped3A : memref<!tpu.dma_semaphore, #tpu.memory_space<semaphore_mem>>)
      %dma_wait3A_225 = tpu.memref_slice %arg4[%add3A_33] : memref<4915200xf32, #tpu.memory_space<hbm>> -> memref<6400xf32, #tpu.memory_space<hbm>>
      %dma_wait3A_226 = tpu.memref_slice %arg4[%add3A_33] : memref<4915200xf32, #tpu.memory_space<hbm>> -> memref<6400xf32, #tpu.memory_space<hbm>>
      tpu.wait_dma2 semaphore(%run_scoped3A : memref<!tpu.dma_semaphore, #tpu.memory_space<semaphore_mem>>) src(%arg13 : memref<6400xf32, #tpu.memory_space<vmem>>) dst(%dma_wait3A_226 : memref<6400xf32, #tpu.memory_space<hbm>>)
      tpu.yield
    }) : () -> ()
    %add3A_39 = arith.constant 1638400 : i32
    %add3A_40 = arith.addi %add3A_39, %add3A_33 : i32
    "tpu.region"() ({
      %run_scoped3A = tpu.sem_alloc : memref<!tpu.dma_semaphore, #tpu.memory_space<semaphore_mem>>
      %dma_start3A_223 = tpu.memref_slice %arg4[%add3A_40] : memref<4915200xf32, #tpu.memory_space<hbm>> -> memref<6400xf32, #tpu.memory_space<hbm>>
      %dma_start3A_224 = tpu.memref_slice %arg4[%add3A_40] : memref<4915200xf32, #tpu.memory_space<hbm>> -> memref<6400xf32, #tpu.memory_space<hbm>>
      tpu.enqueue_dma source(%arg14 : memref<6400xf32, #tpu.memory_space<vmem>>) target(%dma_start3A_224 : memref<6400xf32, #tpu.memory_space<hbm>>) target_semaphore(%run_scoped3A : memref<!tpu.dma_semaphore, #tpu.memory_space<semaphore_mem>>)
      %dma_wait3A_225 = tpu.memref_slice %arg4[%add3A_40] : memref<4915200xf32, #tpu.memory_space<hbm>> -> memref<6400xf32, #tpu.memory_space<hbm>>
      %dma_wait3A_226 = tpu.memref_slice %arg4[%add3A_40] : memref<4915200xf32, #tpu.memory_space<hbm>> -> memref<6400xf32, #tpu.memory_space<hbm>>
      tpu.wait_dma2 semaphore(%run_scoped3A : memref<!tpu.dma_semaphore, #tpu.memory_space<semaphore_mem>>) src(%arg14 : memref<6400xf32, #tpu.memory_space<vmem>>) dst(%dma_wait3A_226 : memref<6400xf32, #tpu.memory_space<hbm>>)
      tpu.yield
    }) : () -> ()
    %add3A_41 = arith.constant 3276800 : i32
    %add3A_42 = arith.addi %add3A_41, %add3A_33 : i32
    "tpu.region"() ({
      %run_scoped3A = tpu.sem_alloc : memref<!tpu.dma_semaphore, #tpu.memory_space<semaphore_mem>>
      %dma_start3A_223 = tpu.memref_slice %arg4[%add3A_42] : memref<4915200xf32, #tpu.memory_space<hbm>> -> memref<6400xf32, #tpu.memory_space<hbm>>
      %dma_start3A_224 = tpu.memref_slice %arg4[%add3A_42] : memref<4915200xf32, #tpu.memory_space<hbm>> -> memref<6400xf32, #tpu.memory_space<hbm>>
      tpu.enqueue_dma source(%arg15 : memref<6400xf32, #tpu.memory_space<vmem>>) target(%dma_start3A_224 : memref<6400xf32, #tpu.memory_space<hbm>>) target_semaphore(%run_scoped3A : memref<!tpu.dma_semaphore, #tpu.memory_space<semaphore_mem>>)
      %dma_wait3A_225 = tpu.memref_slice %arg4[%add3A_42] : memref<4915200xf32, #tpu.memory_space<hbm>> -> memref<6400xf32, #tpu.memory_space<hbm>>
      %dma_wait3A_226 = tpu.memref_slice %arg4[%add3A_42] : memref<4915200xf32, #tpu.memory_space<hbm>> -> memref<6400xf32, #tpu.memory_space<hbm>>
      tpu.wait_dma2 semaphore(%run_scoped3A : memref<!tpu.dma_semaphore, #tpu.memory_space<semaphore_mem>>) src(%arg15 : memref<6400xf32, #tpu.memory_space<vmem>>) dst(%dma_wait3A_226 : memref<6400xf32, #tpu.memory_space<hbm>>)
      tpu.yield
    }) : () -> ()
    %add3A_43 = arith.constant 12800 : i32
    %add3A_44 = arith.addi %mul3A_2, %add3A_43 : i32
    %multiple_of3A_45 = tpu.assume_multiple %add3A_44, 6400 : i32
    "tpu.region"() ({
      %run_scoped3A = tpu.sem_alloc : memref<!tpu.dma_semaphore, #tpu.memory_space<semaphore_mem>>
      %dma_start3A_223 = tpu.memref_slice %arg2[%multiple_of3A_45] : memref<1638400xi32, #tpu.memory_space<hbm>> -> memref<6400xi32, #tpu.memory_space<hbm>>
      %dma_start3A_224 = tpu.memref_slice %arg2[%multiple_of3A_45] : memref<1638400xi32, #tpu.memory_space<hbm>> -> memref<6400xi32, #tpu.memory_space<hbm>>
      tpu.enqueue_dma source(%dma_start3A_224 : memref<6400xi32, #tpu.memory_space<hbm>>) target(%arg5 : memref<6400xi32, #tpu.memory_space<vmem>>) target_semaphore(%run_scoped3A : memref<!tpu.dma_semaphore, #tpu.memory_space<semaphore_mem>>)
      %dma_wait3A_225 = tpu.memref_slice %arg2[%multiple_of3A_45] : memref<1638400xi32, #tpu.memory_space<hbm>> -> memref<6400xi32, #tpu.memory_space<hbm>>
      %dma_wait3A_226 = tpu.memref_slice %arg2[%multiple_of3A_45] : memref<1638400xi32, #tpu.memory_space<hbm>> -> memref<6400xi32, #tpu.memory_space<hbm>>
      tpu.wait_dma2 semaphore(%run_scoped3A : memref<!tpu.dma_semaphore, #tpu.memory_space<semaphore_mem>>) src(%dma_wait3A_226 : memref<6400xi32, #tpu.memory_space<hbm>>) dst(%arg5 : memref<6400xi32, #tpu.memory_space<vmem>>)
      tpu.yield
    }) : () -> ()
    %scan3A_46 = arith.constant 0 : i32
    %scan3A_47 = arith.constant 0 : i32
    %scan3A_48 = arith.constant 400 : i32
    %scan3A_49 = arith.addi %scan3A_47, %scan3A_48 : i32
    %scan3A_50 = arith.constant 1 : i32
    %scan3A_51 = scf.for %scan3A_223 = %scan3A_47 to %scan3A_49 step %scan3A_50 iter_args(%scan3A_224 = %scan3A_46) -> (i32)  : i32 {
      %mul3A_225 = arith.constant 16 : i32
      %mul3A_226 = arith.muli %scan3A_223, %mul3A_225 : i32
      %multiple_of3A_227 = tpu.assume_multiple %mul3A_226, 16 : i32
      %mul3A_228 = arith.constant 16 : i32
      %mul3A_229 = arith.muli %scan3A_223, %mul3A_228 : i32
      %add3A_230 = arith.addi %multiple_of3A_45, %mul3A_229 : i32
      %add3A_231 = vector.broadcast %add3A_230 : i32 to vector<16xi32>
      %add3A_232 = arith.addi %iota3A, %add3A_231 : vector<16xi32>
      %shift_right_arithmetic3A = arith.constant 14 : i32
      %shift_right_arithmetic3A_233 = vector.broadcast %shift_right_arithmetic3A : i32 to vector<16xi32>
      %shift_right_arithmetic3A_234 = arith.shrsi %add3A_232, %shift_right_arithmetic3A_233 : vector<16xi32>
      %get3A = arith.index_cast %multiple_of3A_227 : i32 to index
      %get3A_235 = tpu.vector_load %arg5[%get3A] {strides = array<i32>} : memref<6400xi32, #tpu.memory_space<vmem>>, vector<16xi32>,
      %get3A_236 = vector.shape_cast %get3A_235 : vector<16xi32> to vector<16xi32>
      %shift_right_arithmetic3A_237 = arith.constant 7 : i32
      %shift_right_arithmetic3A_238 = vector.broadcast %shift_right_arithmetic3A_237 : i32 to vector<16xi32>
      %shift_right_arithmetic3A_239 = arith.shrsi %get3A_236, %shift_right_arithmetic3A_238 : vector<16xi32>
      %shift_left3A = arith.constant 10 : i32
      %shift_left3A_240 = vector.broadcast %shift_left3A : i32 to vector<16xi32>
      %shift_left3A_241 = arith.shli %shift_right_arithmetic3A_239, %shift_left3A_240 : vector<16xi32>
      %and3A = arith.constant 127 : i32
      %and3A_242 = vector.broadcast %and3A : i32 to vector<16xi32>
      %and3A_243 = arith.andi %get3A_236, %and3A_242 : vector<16xi32>
      %add3A_244 = arith.addi %shift_left3A_241, %and3A_243 : vector<16xi32>
      %shift_right_arithmetic3A_245 = arith.constant 3 : i32
      %shift_right_arithmetic3A_246 = vector.broadcast %shift_right_arithmetic3A_245 : i32 to vector<16xi32>
      %shift_right_arithmetic3A_247 = arith.shrsi %shift_right_arithmetic3A_234, %shift_right_arithmetic3A_246 : vector<16xi32>
      %mul3A_248 = arith.constant 800768 : i32
      %mul3A_249 = vector.broadcast %mul3A_248 : i32 to vector<16xi32>
      %mul3A_250 = arith.muli %shift_right_arithmetic3A_247, %mul3A_249 : vector<16xi32>
      %and3A_251 = arith.constant 7 : i32
      %and3A_252 = vector.broadcast %and3A_251 : i32 to vector<16xi32>
      %and3A_253 = arith.andi %shift_right_arithmetic3A_234, %and3A_252 : vector<16xi32>
      %shift_left3A_254 = arith.constant 7 : i32
      %shift_left3A_255 = vector.broadcast %shift_left3A_254 : i32 to vector<16xi32>
      %shift_left3A_256 = arith.shli %and3A_253, %shift_left3A_255 : vector<16xi32>
      %add3A_257 = arith.addi %mul3A_250, %shift_left3A_256 : vector<16xi32>
      %add3A_258 = arith.addi %add3A_244, %add3A_257 : vector<16xi32>
      %swap3A = arith.index_cast %multiple_of3A_227 : i32 to index
      %swap3A_259 = tpu.vector_load %arg7[%swap3A] {strides = array<i32>} : memref<6400xi32, #tpu.memory_space<vmem>>, vector<16xi32>,
      %swap3A_260 = vector.shape_cast %swap3A_259 : vector<16xi32> to vector<16xi32>
      %swap3A_261 = vector.shape_cast %add3A_258 : vector<16xi32> to vector<16xi32>
      tpu.vector_store %arg7[%swap3A], %swap3A_261 {strides = array<i32>} : memref<6400xi32, #tpu.memory_space<vmem>>, vector<16xi32>,
      %add3A_262 = arith.constant 10409984 : i32
      %add3A_263 = vector.broadcast %add3A_262 : i32 to vector<16xi32>
      %add3A_264 = arith.addi %add3A_258, %add3A_263 : vector<16xi32>
      %swap3A_265 = arith.index_cast %multiple_of3A_227 : i32 to index
      %swap3A_266 = tpu.vector_load %arg8[%swap3A_265] {strides = array<i32>} : memref<6400xi32, #tpu.memory_space<vmem>>, vector<16xi32>,
      %swap3A_267 = vector.shape_cast %swap3A_266 : vector<16xi32> to vector<16xi32>
      %swap3A_268 = vector.shape_cast %add3A_264 : vector<16xi32> to vector<16xi32>
      tpu.vector_store %arg8[%swap3A_265], %swap3A_268 {strides = array<i32>} : memref<6400xi32, #tpu.memory_space<vmem>>, vector<16xi32>,
      %add3A_269 = arith.constant 20819968 : i32
      %add3A_270 = vector.broadcast %add3A_269 : i32 to vector<16xi32>
      %add3A_271 = arith.addi %add3A_258, %add3A_270 : vector<16xi32>
      %swap3A_272 = arith.index_cast %multiple_of3A_227 : i32 to index
      %swap3A_273 = tpu.vector_load %arg9[%swap3A_272] {strides = array<i32>} : memref<6400xi32, #tpu.memory_space<vmem>>, vector<16xi32>,
      %swap3A_274 = vector.shape_cast %swap3A_273 : vector<16xi32> to vector<16xi32>
      %swap3A_275 = vector.shape_cast %add3A_271 : vector<16xi32> to vector<16xi32>
      tpu.vector_store %arg9[%swap3A_272], %swap3A_275 {strides = array<i32>} : memref<6400xi32, #tpu.memory_space<vmem>>, vector<16xi32>,
      %scan3A_276 = arith.constant 0 : i32
      scf.yield %scan3A_276 : i32
    }
    %scan3A_52 = arith.constant 400 : i32
    %dma_start3A_53 = arith.constant 0 : i32
    %dma_start3A_54 = tpu.memref_slice %arg3[%dma_start3A_53] : memref<31229952xf32, #tpu.memory_space<hbm>> -> memref<31229952xf32, #tpu.memory_space<hbm>>
    tpu.enqueue_indirect_dma source(%dma_start3A_54 : memref<31229952xf32, #tpu.memory_space<hbm>>) target(%arg13 : memref<6400xf32, #tpu.memory_space<vmem>>) offsets(%arg7 : memref<6400xi32, #tpu.memory_space<vmem>>) semaphore(%arg19 : memref<!tpu.dma_semaphore, #tpu.memory_space<semaphore_mem>>)
    %dma_start3A_55 = arith.constant 0 : i32
    %dma_start3A_56 = tpu.memref_slice %arg3[%dma_start3A_55] : memref<31229952xf32, #tpu.memory_space<hbm>> -> memref<31229952xf32, #tpu.memory_space<hbm>>
    tpu.enqueue_indirect_dma source(%dma_start3A_56 : memref<31229952xf32, #tpu.memory_space<hbm>>) target(%arg14 : memref<6400xf32, #tpu.memory_space<vmem>>) offsets(%arg8 : memref<6400xi32, #tpu.memory_space<vmem>>) semaphore(%arg19 : memref<!tpu.dma_semaphore, #tpu.memory_space<semaphore_mem>>)
    %dma_start3A_57 = arith.constant 0 : i32
    %dma_start3A_58 = tpu.memref_slice %arg3[%dma_start3A_57] : memref<31229952xf32, #tpu.memory_space<hbm>> -> memref<31229952xf32, #tpu.memory_space<hbm>>
    tpu.enqueue_indirect_dma source(%dma_start3A_58 : memref<31229952xf32, #tpu.memory_space<hbm>>) target(%arg15 : memref<6400xf32, #tpu.memory_space<vmem>>) offsets(%arg9 : memref<6400xi32, #tpu.memory_space<vmem>>) semaphore(%arg19 : memref<!tpu.dma_semaphore, #tpu.memory_space<semaphore_mem>>)
    %add3A_59 = arith.constant 6400 : i32
    %add3A_60 = arith.addi %mul3A_2, %add3A_59 : i32
    %dma_wait3A_61 = arith.constant 0 : i32
    %dma_wait3A_62 = tpu.memref_slice %arg3[%dma_wait3A_61] : memref<31229952xf32, #tpu.memory_space<hbm>> -> memref<31229952xf32, #tpu.memory_space<hbm>>
    tpu.wait_indirect_dma semaphore(%arg20 : memref<!tpu.dma_semaphore, #tpu.memory_space<semaphore_mem>>) src(%dma_wait3A_62 : memref<31229952xf32, #tpu.memory_space<hbm>>) dst(%arg16 : memref<6400xf32, #tpu.memory_space<vmem>>)
    %dma_wait3A_63 = arith.constant 0 : i32
    %dma_wait3A_64 = tpu.memref_slice %arg3[%dma_wait3A_63] : memref<31229952xf32, #tpu.memory_space<hbm>> -> memref<31229952xf32, #tpu.memory_space<hbm>>
    tpu.wait_indirect_dma semaphore(%arg20 : memref<!tpu.dma_semaphore, #tpu.memory_space<semaphore_mem>>) src(%dma_wait3A_64 : memref<31229952xf32, #tpu.memory_space<hbm>>) dst(%arg17 : memref<6400xf32, #tpu.memory_space<vmem>>)
    %dma_wait3A_65 = arith.constant 0 : i32
    %dma_wait3A_66 = tpu.memref_slice %arg3[%dma_wait3A_65] : memref<31229952xf32, #tpu.memory_space<hbm>> -> memref<31229952xf32, #tpu.memory_space<hbm>>
    tpu.wait_indirect_dma semaphore(%arg20 : memref<!tpu.dma_semaphore, #tpu.memory_space<semaphore_mem>>) src(%dma_wait3A_66 : memref<31229952xf32, #tpu.memory_space<hbm>>) dst(%arg18 : memref<6400xf32, #tpu.memory_space<vmem>>)
    "tpu.region"() ({
      %run_scoped3A = tpu.sem_alloc : memref<!tpu.dma_semaphore, #tpu.memory_space<semaphore_mem>>
      %dma_start3A_223 = tpu.memref_slice %arg4[%add3A_60] : memref<4915200xf32, #tpu.memory_space<hbm>> -> memref<6400xf32, #tpu.memory_space<hbm>>
      %dma_start3A_224 = tpu.memref_slice %arg4[%add3A_60] : memref<4915200xf32, #tpu.memory_space<hbm>> -> memref<6400xf32, #tpu.memory_space<hbm>>
      tpu.enqueue_dma source(%arg16 : memref<6400xf32, #tpu.memory_space<vmem>>) target(%dma_start3A_224 : memref<6400xf32, #tpu.memory_space<hbm>>) target_semaphore(%run_scoped3A : memref<!tpu.dma_semaphore, #tpu.memory_space<semaphore_mem>>)
      %dma_wait3A_225 = tpu.memref_slice %arg4[%add3A_60] : memref<4915200xf32, #tpu.memory_space<hbm>> -> memref<6400xf32, #tpu.memory_space<hbm>>
      %dma_wait3A_226 = tpu.memref_slice %arg4[%add3A_60] : memref<4915200xf32, #tpu.memory_space<hbm>> -> memref<6400xf32, #tpu.memory_space<hbm>>
      tpu.wait_dma2 semaphore(%run_scoped3A : memref<!tpu.dma_semaphore, #tpu.memory_space<semaphore_mem>>) src(%arg16 : memref<6400xf32, #tpu.memory_space<vmem>>) dst(%dma_wait3A_226 : memref<6400xf32, #tpu.memory_space<hbm>>)
      tpu.yield
    }) : () -> ()
    %add3A_67 = arith.constant 1638400 : i32
    %add3A_68 = arith.addi %add3A_67, %add3A_60 : i32
    "tpu.region"() ({
      %run_scoped3A = tpu.sem_alloc : memref<!tpu.dma_semaphore, #tpu.memory_space<semaphore_mem>>
      %dma_start3A_223 = tpu.memref_slice %arg4[%add3A_68] : memref<4915200xf32, #tpu.memory_space<hbm>> -> memref<6400xf32, #tpu.memory_space<hbm>>
      %dma_start3A_224 = tpu.memref_slice %arg4[%add3A_68] : memref<4915200xf32, #tpu.memory_space<hbm>> -> memref<6400xf32, #tpu.memory_space<hbm>>
      tpu.enqueue_dma source(%arg17 : memref<6400xf32, #tpu.memory_space<vmem>>) target(%dma_start3A_224 : memref<6400xf32, #tpu.memory_space<hbm>>) target_semaphore(%run_scoped3A : memref<!tpu.dma_semaphore, #tpu.memory_space<semaphore_mem>>)
      %dma_wait3A_225 = tpu.memref_slice %arg4[%add3A_68] : memref<4915200xf32, #tpu.memory_space<hbm>> -> memref<6400xf32, #tpu.memory_space<hbm>>
      %dma_wait3A_226 = tpu.memref_slice %arg4[%add3A_68] : memref<4915200xf32, #tpu.memory_space<hbm>> -> memref<6400xf32, #tpu.memory_space<hbm>>
      tpu.wait_dma2 semaphore(%run_scoped3A : memref<!tpu.dma_semaphore, #tpu.memory_space<semaphore_mem>>) src(%arg17 : memref<6400xf32, #tpu.memory_space<vmem>>) dst(%dma_wait3A_226 : memref<6400xf32, #tpu.memory_space<hbm>>)
      tpu.yield
    }) : () -> ()
    %add3A_69 = arith.constant 3276800 : i32
    %add3A_70 = arith.addi %add3A_69, %add3A_60 : i32
    "tpu.region"() ({
      %run_scoped3A = tpu.sem_alloc : memref<!tpu.dma_semaphore, #tpu.memory_space<semaphore_mem>>
      %dma_start3A_223 = tpu.memref_slice %arg4[%add3A_70] : memref<4915200xf32, #tpu.memory_space<hbm>> -> memref<6400xf32, #tpu.memory_space<hbm>>
      %dma_start3A_224 = tpu.memref_slice %arg4[%add3A_70] : memref<4915200xf32, #tpu.memory_space<hbm>> -> memref<6400xf32, #tpu.memory_space<hbm>>
      tpu.enqueue_dma source(%arg18 : memref<6400xf32, #tpu.memory_space<vmem>>) target(%dma_start3A_224 : memref<6400xf32, #tpu.memory_space<hbm>>) target_semaphore(%run_scoped3A : memref<!tpu.dma_semaphore, #tpu.memory_space<semaphore_mem>>)
      %dma_wait3A_225 = tpu.memref_slice %arg4[%add3A_70] : memref<4915200xf32, #tpu.memory_space<hbm>> -> memref<6400xf32, #tpu.memory_space<hbm>>
      %dma_wait3A_226 = tpu.memref_slice %arg4[%add3A_70] : memref<4915200xf32, #tpu.memory_space<hbm>> -> memref<6400xf32, #tpu.memory_space<hbm>>
      tpu.wait_dma2 semaphore(%run_scoped3A : memref<!tpu.dma_semaphore, #tpu.memory_space<semaphore_mem>>) src(%arg18 : memref<6400xf32, #tpu.memory_space<vmem>>) dst(%dma_wait3A_226 : memref<6400xf32, #tpu.memory_space<hbm>>)
      tpu.yield
    }) : () -> ()
    %add3A_71 = arith.constant 19200 : i32
    %add3A_72 = arith.addi %mul3A_2, %add3A_71 : i32
    %multiple_of3A_73 = tpu.assume_multiple %add3A_72, 6400 : i32
    "tpu.region"() ({
      %run_scoped3A = tpu.sem_alloc : memref<!tpu.dma_semaphore, #tpu.memory_space<semaphore_mem>>
      %dma_start3A_223 = tpu.memref_slice %arg2[%multiple_of3A_73] : memref<1638400xi32, #tpu.memory_space<hbm>> -> memref<6400xi32, #tpu.memory_space<hbm>>
      %dma_start3A_224 = tpu.memref_slice %arg2[%multiple_of3A_73] : memref<1638400xi32, #tpu.memory_space<hbm>> -> memref<6400xi32, #tpu.memory_space<hbm>>
      tpu.enqueue_dma source(%dma_start3A_224 : memref<6400xi32, #tpu.memory_space<hbm>>) target(%arg6 : memref<6400xi32, #tpu.memory_space<vmem>>) target_semaphore(%run_scoped3A : memref<!tpu.dma_semaphore, #tpu.memory_space<semaphore_mem>>)
      %dma_wait3A_225 = tpu.memref_slice %arg2[%multiple_of3A_73] : memref<1638400xi32, #tpu.memory_space<hbm>> -> memref<6400xi32, #tpu.memory_space<hbm>>
      %dma_wait3A_226 = tpu.memref_slice %arg2[%multiple_of3A_73] : memref<1638400xi32, #tpu.memory_space<hbm>> -> memref<6400xi32, #tpu.memory_space<hbm>>
      tpu.wait_dma2 semaphore(%run_scoped3A : memref<!tpu.dma_semaphore, #tpu.memory_space<semaphore_mem>>) src(%dma_wait3A_226 : memref<6400xi32, #tpu.memory_space<hbm>>) dst(%arg6 : memref<6400xi32, #tpu.memory_space<vmem>>)
      tpu.yield
    }) : () -> ()
    %scan3A_74 = arith.constant 0 : i32
    %scan3A_75 = arith.constant 0 : i32
    %scan3A_76 = arith.constant 400 : i32
    %scan3A_77 = arith.addi %scan3A_75, %scan3A_76 : i32
    %scan3A_78 = arith.constant 1 : i32
    %scan3A_79 = scf.for %scan3A_223 = %scan3A_75 to %scan3A_77 step %scan3A_78 iter_args(%scan3A_224 = %scan3A_74) -> (i32)  : i32 {
      %mul3A_225 = arith.constant 16 : i32
      %mul3A_226 = arith.muli %scan3A_223, %mul3A_225 : i32
      %multiple_of3A_227 = tpu.assume_multiple %mul3A_226, 16 : i32
      %mul3A_228 = arith.constant 16 : i32
      %mul3A_229 = arith.muli %scan3A_223, %mul3A_228 : i32
      %add3A_230 = arith.addi %multiple_of3A_73, %mul3A_229 : i32
      %add3A_231 = vector.broadcast %add3A_230 : i32 to vector<16xi32>
      %add3A_232 = arith.addi %iota3A, %add3A_231 : vector<16xi32>
      %shift_right_arithmetic3A = arith.constant 14 : i32
      %shift_right_arithmetic3A_233 = vector.broadcast %shift_right_arithmetic3A : i32 to vector<16xi32>
      %shift_right_arithmetic3A_234 = arith.shrsi %add3A_232, %shift_right_arithmetic3A_233 : vector<16xi32>
      %get3A = arith.index_cast %multiple_of3A_227 : i32 to index
      %get3A_235 = tpu.vector_load %arg6[%get3A] {strides = array<i32>} : memref<6400xi32, #tpu.memory_space<vmem>>, vector<16xi32>,
      %get3A_236 = vector.shape_cast %get3A_235 : vector<16xi32> to vector<16xi32>
      %shift_right_arithmetic3A_237 = arith.constant 7 : i32
      %shift_right_arithmetic3A_238 = vector.broadcast %shift_right_arithmetic3A_237 : i32 to vector<16xi32>
      %shift_right_arithmetic3A_239 = arith.shrsi %get3A_236, %shift_right_arithmetic3A_238 : vector<16xi32>
      %shift_left3A = arith.constant 10 : i32
      %shift_left3A_240 = vector.broadcast %shift_left3A : i32 to vector<16xi32>
      %shift_left3A_241 = arith.shli %shift_right_arithmetic3A_239, %shift_left3A_240 : vector<16xi32>
      %and3A = arith.constant 127 : i32
      %and3A_242 = vector.broadcast %and3A : i32 to vector<16xi32>
      %and3A_243 = arith.andi %get3A_236, %and3A_242 : vector<16xi32>
      %add3A_244 = arith.addi %shift_left3A_241, %and3A_243 : vector<16xi32>
      %shift_right_arithmetic3A_245 = arith.constant 3 : i32
      %shift_right_arithmetic3A_246 = vector.broadcast %shift_right_arithmetic3A_245 : i32 to vector<16xi32>
      %shift_right_arithmetic3A_247 = arith.shrsi %shift_right_arithmetic3A_234, %shift_right_arithmetic3A_246 : vector<16xi32>
      %mul3A_248 = arith.constant 800768 : i32
      %mul3A_249 = vector.broadcast %mul3A_248 : i32 to vector<16xi32>
      %mul3A_250 = arith.muli %shift_right_arithmetic3A_247, %mul3A_249 : vector<16xi32>
      %and3A_251 = arith.constant 7 : i32
      %and3A_252 = vector.broadcast %and3A_251 : i32 to vector<16xi32>
      %and3A_253 = arith.andi %shift_right_arithmetic3A_234, %and3A_252 : vector<16xi32>
      %shift_left3A_254 = arith.constant 7 : i32
      %shift_left3A_255 = vector.broadcast %shift_left3A_254 : i32 to vector<16xi32>
      %shift_left3A_256 = arith.shli %and3A_253, %shift_left3A_255 : vector<16xi32>
      %add3A_257 = arith.addi %mul3A_250, %shift_left3A_256 : vector<16xi32>
      %add3A_258 = arith.addi %add3A_244, %add3A_257 : vector<16xi32>
      %swap3A = arith.index_cast %multiple_of3A_227 : i32 to index
      %swap3A_259 = tpu.vector_load %arg10[%swap3A] {strides = array<i32>} : memref<6400xi32, #tpu.memory_space<vmem>>, vector<16xi32>,
      %swap3A_260 = vector.shape_cast %swap3A_259 : vector<16xi32> to vector<16xi32>
      %swap3A_261 = vector.shape_cast %add3A_258 : vector<16xi32> to vector<16xi32>
      tpu.vector_store %arg10[%swap3A], %swap3A_261 {strides = array<i32>} : memref<6400xi32, #tpu.memory_space<vmem>>, vector<16xi32>,
      %add3A_262 = arith.constant 10409984 : i32
      %add3A_263 = vector.broadcast %add3A_262 : i32 to vector<16xi32>
      %add3A_264 = arith.addi %add3A_258, %add3A_263 : vector<16xi32>
      %swap3A_265 = arith.index_cast %multiple_of3A_227 : i32 to index
      %swap3A_266 = tpu.vector_load %arg11[%swap3A_265] {strides = array<i32>} : memref<6400xi32, #tpu.memory_space<vmem>>, vector<16xi32>,
      %swap3A_267 = vector.shape_cast %swap3A_266 : vector<16xi32> to vector<16xi32>
      %swap3A_268 = vector.shape_cast %add3A_264 : vector<16xi32> to vector<16xi32>
      tpu.vector_store %arg11[%swap3A_265], %swap3A_268 {strides = array<i32>} : memref<6400xi32, #tpu.memory_space<vmem>>, vector<16xi32>,
      %add3A_269 = arith.constant 20819968 : i32
      %add3A_270 = vector.broadcast %add3A_269 : i32 to vector<16xi32>
      %add3A_271 = arith.addi %add3A_258, %add3A_270 : vector<16xi32>
      %swap3A_272 = arith.index_cast %multiple_of3A_227 : i32 to index
      %swap3A_273 = tpu.vector_load %arg12[%swap3A_272] {strides = array<i32>} : memref<6400xi32, #tpu.memory_space<vmem>>, vector<16xi32>,
      %swap3A_274 = vector.shape_cast %swap3A_273 : vector<16xi32> to vector<16xi32>
      %swap3A_275 = vector.shape_cast %add3A_271 : vector<16xi32> to vector<16xi32>
      tpu.vector_store %arg12[%swap3A_272], %swap3A_275 {strides = array<i32>} : memref<6400xi32, #tpu.memory_space<vmem>>, vector<16xi32>,
      %scan3A_276 = arith.constant 0 : i32
      scf.yield %scan3A_276 : i32
    }
    %scan3A_80 = arith.constant 400 : i32
    %dma_start3A_81 = arith.constant 0 : i32
    %dma_start3A_82 = tpu.memref_slice %arg3[%dma_start3A_81] : memref<31229952xf32, #tpu.memory_space<hbm>> -> memref<31229952xf32, #tpu.memory_space<hbm>>
    tpu.enqueue_indirect_dma source(%dma_start3A_82 : memref<31229952xf32, #tpu.memory_space<hbm>>) target(%arg16 : memref<6400xf32, #tpu.memory_space<vmem>>) offsets(%arg10 : memref<6400xi32, #tpu.memory_space<vmem>>) semaphore(%arg20 : memref<!tpu.dma_semaphore, #tpu.memory_space<semaphore_mem>>)
    %dma_start3A_83 = arith.constant 0 : i32
    %dma_start3A_84 = tpu.memref_slice %arg3[%dma_start3A_83] : memref<31229952xf32, #tpu.memory_space<hbm>> -> memref<31229952xf32, #tpu.memory_space<hbm>>
    tpu.enqueue_indirect_dma source(%dma_start3A_84 : memref<31229952xf32, #tpu.memory_space<hbm>>) target(%arg17 : memref<6400xf32, #tpu.memory_space<vmem>>) offsets(%arg11 : memref<6400xi32, #tpu.memory_space<vmem>>) semaphore(%arg20 : memref<!tpu.dma_semaphore, #tpu.memory_space<semaphore_mem>>)
    %dma_start3A_85 = arith.constant 0 : i32
    %dma_start3A_86 = tpu.memref_slice %arg3[%dma_start3A_85] : memref<31229952xf32, #tpu.memory_space<hbm>> -> memref<31229952xf32, #tpu.memory_space<hbm>>
    tpu.enqueue_indirect_dma source(%dma_start3A_86 : memref<31229952xf32, #tpu.memory_space<hbm>>) target(%arg18 : memref<6400xf32, #tpu.memory_space<vmem>>) offsets(%arg12 : memref<6400xi32, #tpu.memory_space<vmem>>) semaphore(%arg20 : memref<!tpu.dma_semaphore, #tpu.memory_space<semaphore_mem>>)
    %add3A_87 = arith.constant 12800 : i32
    %add3A_88 = arith.addi %mul3A_2, %add3A_87 : i32
    %dma_wait3A_89 = arith.constant 0 : i32
    %dma_wait3A_90 = tpu.memref_slice %arg3[%dma_wait3A_89] : memref<31229952xf32, #tpu.memory_space<hbm>> -> memref<31229952xf32, #tpu.memory_space<hbm>>
    tpu.wait_indirect_dma semaphore(%arg19 : memref<!tpu.dma_semaphore, #tpu.memory_space<semaphore_mem>>) src(%dma_wait3A_90 : memref<31229952xf32, #tpu.memory_space<hbm>>) dst(%arg13 : memref<6400xf32, #tpu.memory_space<vmem>>)
    %dma_wait3A_91 = arith.constant 0 : i32
    %dma_wait3A_92 = tpu.memref_slice %arg3[%dma_wait3A_91] : memref<31229952xf32, #tpu.memory_space<hbm>> -> memref<31229952xf32, #tpu.memory_space<hbm>>
    tpu.wait_indirect_dma semaphore(%arg19 : memref<!tpu.dma_semaphore, #tpu.memory_space<semaphore_mem>>) src(%dma_wait3A_92 : memref<31229952xf32, #tpu.memory_space<hbm>>) dst(%arg14 : memref<6400xf32, #tpu.memory_space<vmem>>)
    %dma_wait3A_93 = arith.constant 0 : i32
    %dma_wait3A_94 = tpu.memref_slice %arg3[%dma_wait3A_93] : memref<31229952xf32, #tpu.memory_space<hbm>> -> memref<31229952xf32, #tpu.memory_space<hbm>>
    tpu.wait_indirect_dma semaphore(%arg19 : memref<!tpu.dma_semaphore, #tpu.memory_space<semaphore_mem>>) src(%dma_wait3A_94 : memref<31229952xf32, #tpu.memory_space<hbm>>) dst(%arg15 : memref<6400xf32, #tpu.memory_space<vmem>>)
    "tpu.region"() ({
      %run_scoped3A = tpu.sem_alloc : memref<!tpu.dma_semaphore, #tpu.memory_space<semaphore_mem>>
      %dma_start3A_223 = tpu.memref_slice %arg4[%add3A_88] : memref<4915200xf32, #tpu.memory_space<hbm>> -> memref<6400xf32, #tpu.memory_space<hbm>>
      %dma_start3A_224 = tpu.memref_slice %arg4[%add3A_88] : memref<4915200xf32, #tpu.memory_space<hbm>> -> memref<6400xf32, #tpu.memory_space<hbm>>
      tpu.enqueue_dma source(%arg13 : memref<6400xf32, #tpu.memory_space<vmem>>) target(%dma_start3A_224 : memref<6400xf32, #tpu.memory_space<hbm>>) target_semaphore(%run_scoped3A : memref<!tpu.dma_semaphore, #tpu.memory_space<semaphore_mem>>)
      %dma_wait3A_225 = tpu.memref_slice %arg4[%add3A_88] : memref<4915200xf32, #tpu.memory_space<hbm>> -> memref<6400xf32, #tpu.memory_space<hbm>>
      %dma_wait3A_226 = tpu.memref_slice %arg4[%add3A_88] : memref<4915200xf32, #tpu.memory_space<hbm>> -> memref<6400xf32, #tpu.memory_space<hbm>>
      tpu.wait_dma2 semaphore(%run_scoped3A : memref<!tpu.dma_semaphore, #tpu.memory_space<semaphore_mem>>) src(%arg13 : memref<6400xf32, #tpu.memory_space<vmem>>) dst(%dma_wait3A_226 : memref<6400xf32, #tpu.memory_space<hbm>>)
      tpu.yield
    }) : () -> ()
    %add3A_95 = arith.constant 1638400 : i32
    %add3A_96 = arith.addi %add3A_95, %add3A_88 : i32
    "tpu.region"() ({
      %run_scoped3A = tpu.sem_alloc : memref<!tpu.dma_semaphore, #tpu.memory_space<semaphore_mem>>
      %dma_start3A_223 = tpu.memref_slice %arg4[%add3A_96] : memref<4915200xf32, #tpu.memory_space<hbm>> -> memref<6400xf32, #tpu.memory_space<hbm>>
      %dma_start3A_224 = tpu.memref_slice %arg4[%add3A_96] : memref<4915200xf32, #tpu.memory_space<hbm>> -> memref<6400xf32, #tpu.memory_space<hbm>>
      tpu.enqueue_dma source(%arg14 : memref<6400xf32, #tpu.memory_space<vmem>>) target(%dma_start3A_224 : memref<6400xf32, #tpu.memory_space<hbm>>) target_semaphore(%run_scoped3A : memref<!tpu.dma_semaphore, #tpu.memory_space<semaphore_mem>>)
      %dma_wait3A_225 = tpu.memref_slice %arg4[%add3A_96] : memref<4915200xf32, #tpu.memory_space<hbm>> -> memref<6400xf32, #tpu.memory_space<hbm>>
      %dma_wait3A_226 = tpu.memref_slice %arg4[%add3A_96] : memref<4915200xf32, #tpu.memory_space<hbm>> -> memref<6400xf32, #tpu.memory_space<hbm>>
      tpu.wait_dma2 semaphore(%run_scoped3A : memref<!tpu.dma_semaphore, #tpu.memory_space<semaphore_mem>>) src(%arg14 : memref<6400xf32, #tpu.memory_space<vmem>>) dst(%dma_wait3A_226 : memref<6400xf32, #tpu.memory_space<hbm>>)
      tpu.yield
    }) : () -> ()
    %add3A_97 = arith.constant 3276800 : i32
    %add3A_98 = arith.addi %add3A_97, %add3A_88 : i32
    "tpu.region"() ({
      %run_scoped3A = tpu.sem_alloc : memref<!tpu.dma_semaphore, #tpu.memory_space<semaphore_mem>>
      %dma_start3A_223 = tpu.memref_slice %arg4[%add3A_98] : memref<4915200xf32, #tpu.memory_space<hbm>> -> memref<6400xf32, #tpu.memory_space<hbm>>
      %dma_start3A_224 = tpu.memref_slice %arg4[%add3A_98] : memref<4915200xf32, #tpu.memory_space<hbm>> -> memref<6400xf32, #tpu.memory_space<hbm>>
      tpu.enqueue_dma source(%arg15 : memref<6400xf32, #tpu.memory_space<vmem>>) target(%dma_start3A_224 : memref<6400xf32, #tpu.memory_space<hbm>>) target_semaphore(%run_scoped3A : memref<!tpu.dma_semaphore, #tpu.memory_space<semaphore_mem>>)
      %dma_wait3A_225 = tpu.memref_slice %arg4[%add3A_98] : memref<4915200xf32, #tpu.memory_space<hbm>> -> memref<6400xf32, #tpu.memory_space<hbm>>
      %dma_wait3A_226 = tpu.memref_slice %arg4[%add3A_98] : memref<4915200xf32, #tpu.memory_space<hbm>> -> memref<6400xf32, #tpu.memory_space<hbm>>
      tpu.wait_dma2 semaphore(%run_scoped3A : memref<!tpu.dma_semaphore, #tpu.memory_space<semaphore_mem>>) src(%arg15 : memref<6400xf32, #tpu.memory_space<vmem>>) dst(%dma_wait3A_226 : memref<6400xf32, #tpu.memory_space<hbm>>)
      tpu.yield
    }) : () -> ()
    %add3A_99 = arith.constant 25600 : i32
    %add3A_100 = arith.addi %mul3A_2, %add3A_99 : i32
    %multiple_of3A_101 = tpu.assume_multiple %add3A_100, 6400 : i32
    "tpu.region"() ({
      %run_scoped3A = tpu.sem_alloc : memref<!tpu.dma_semaphore, #tpu.memory_space<semaphore_mem>>
      %dma_start3A_223 = tpu.memref_slice %arg2[%multiple_of3A_101] : memref<1638400xi32, #tpu.memory_space<hbm>> -> memref<6400xi32, #tpu.memory_space<hbm>>
      %dma_start3A_224 = tpu.memref_slice %arg2[%multiple_of3A_101] : memref<1638400xi32, #tpu.memory_space<hbm>> -> memref<6400xi32, #tpu.memory_space<hbm>>
      tpu.enqueue_dma source(%dma_start3A_224 : memref<6400xi32, #tpu.memory_space<hbm>>) target(%arg5 : memref<6400xi32, #tpu.memory_space<vmem>>) target_semaphore(%run_scoped3A : memref<!tpu.dma_semaphore, #tpu.memory_space<semaphore_mem>>)
      %dma_wait3A_225 = tpu.memref_slice %arg2[%multiple_of3A_101] : memref<1638400xi32, #tpu.memory_space<hbm>> -> memref<6400xi32, #tpu.memory_space<hbm>>
      %dma_wait3A_226 = tpu.memref_slice %arg2[%multiple_of3A_101] : memref<1638400xi32, #tpu.memory_space<hbm>> -> memref<6400xi32, #tpu.memory_space<hbm>>
      tpu.wait_dma2 semaphore(%run_scoped3A : memref<!tpu.dma_semaphore, #tpu.memory_space<semaphore_mem>>) src(%dma_wait3A_226 : memref<6400xi32, #tpu.memory_space<hbm>>) dst(%arg5 : memref<6400xi32, #tpu.memory_space<vmem>>)
      tpu.yield
    }) : () -> ()
    %scan3A_102 = arith.constant 0 : i32
    %scan3A_103 = arith.constant 0 : i32
    %scan3A_104 = arith.constant 400 : i32
    %scan3A_105 = arith.addi %scan3A_103, %scan3A_104 : i32
    %scan3A_106 = arith.constant 1 : i32
    %scan3A_107 = scf.for %scan3A_223 = %scan3A_103 to %scan3A_105 step %scan3A_106 iter_args(%scan3A_224 = %scan3A_102) -> (i32)  : i32 {
      %mul3A_225 = arith.constant 16 : i32
      %mul3A_226 = arith.muli %scan3A_223, %mul3A_225 : i32
      %multiple_of3A_227 = tpu.assume_multiple %mul3A_226, 16 : i32
      %mul3A_228 = arith.constant 16 : i32
      %mul3A_229 = arith.muli %scan3A_223, %mul3A_228 : i32
      %add3A_230 = arith.addi %multiple_of3A_101, %mul3A_229 : i32
      %add3A_231 = vector.broadcast %add3A_230 : i32 to vector<16xi32>
      %add3A_232 = arith.addi %iota3A, %add3A_231 : vector<16xi32>
      %shift_right_arithmetic3A = arith.constant 14 : i32
      %shift_right_arithmetic3A_233 = vector.broadcast %shift_right_arithmetic3A : i32 to vector<16xi32>
      %shift_right_arithmetic3A_234 = arith.shrsi %add3A_232, %shift_right_arithmetic3A_233 : vector<16xi32>
      %get3A = arith.index_cast %multiple_of3A_227 : i32 to index
      %get3A_235 = tpu.vector_load %arg5[%get3A] {strides = array<i32>} : memref<6400xi32, #tpu.memory_space<vmem>>, vector<16xi32>,
      %get3A_236 = vector.shape_cast %get3A_235 : vector<16xi32> to vector<16xi32>
      %shift_right_arithmetic3A_237 = arith.constant 7 : i32
      %shift_right_arithmetic3A_238 = vector.broadcast %shift_right_arithmetic3A_237 : i32 to vector<16xi32>
      %shift_right_arithmetic3A_239 = arith.shrsi %get3A_236, %shift_right_arithmetic3A_238 : vector<16xi32>
      %shift_left3A = arith.constant 10 : i32
      %shift_left3A_240 = vector.broadcast %shift_left3A : i32 to vector<16xi32>
      %shift_left3A_241 = arith.shli %shift_right_arithmetic3A_239, %shift_left3A_240 : vector<16xi32>
      %and3A = arith.constant 127 : i32
      %and3A_242 = vector.broadcast %and3A : i32 to vector<16xi32>
      %and3A_243 = arith.andi %get3A_236, %and3A_242 : vector<16xi32>
      %add3A_244 = arith.addi %shift_left3A_241, %and3A_243 : vector<16xi32>
      %shift_right_arithmetic3A_245 = arith.constant 3 : i32
      %shift_right_arithmetic3A_246 = vector.broadcast %shift_right_arithmetic3A_245 : i32 to vector<16xi32>
      %shift_right_arithmetic3A_247 = arith.shrsi %shift_right_arithmetic3A_234, %shift_right_arithmetic3A_246 : vector<16xi32>
      %mul3A_248 = arith.constant 800768 : i32
      %mul3A_249 = vector.broadcast %mul3A_248 : i32 to vector<16xi32>
      %mul3A_250 = arith.muli %shift_right_arithmetic3A_247, %mul3A_249 : vector<16xi32>
      %and3A_251 = arith.constant 7 : i32
      %and3A_252 = vector.broadcast %and3A_251 : i32 to vector<16xi32>
      %and3A_253 = arith.andi %shift_right_arithmetic3A_234, %and3A_252 : vector<16xi32>
      %shift_left3A_254 = arith.constant 7 : i32
      %shift_left3A_255 = vector.broadcast %shift_left3A_254 : i32 to vector<16xi32>
      %shift_left3A_256 = arith.shli %and3A_253, %shift_left3A_255 : vector<16xi32>
      %add3A_257 = arith.addi %mul3A_250, %shift_left3A_256 : vector<16xi32>
      %add3A_258 = arith.addi %add3A_244, %add3A_257 : vector<16xi32>
      %swap3A = arith.index_cast %multiple_of3A_227 : i32 to index
      %swap3A_259 = tpu.vector_load %arg7[%swap3A] {strides = array<i32>} : memref<6400xi32, #tpu.memory_space<vmem>>, vector<16xi32>,
      %swap3A_260 = vector.shape_cast %swap3A_259 : vector<16xi32> to vector<16xi32>
      %swap3A_261 = vector.shape_cast %add3A_258 : vector<16xi32> to vector<16xi32>
      tpu.vector_store %arg7[%swap3A], %swap3A_261 {strides = array<i32>} : memref<6400xi32, #tpu.memory_space<vmem>>, vector<16xi32>,
      %add3A_262 = arith.constant 10409984 : i32
      %add3A_263 = vector.broadcast %add3A_262 : i32 to vector<16xi32>
      %add3A_264 = arith.addi %add3A_258, %add3A_263 : vector<16xi32>
      %swap3A_265 = arith.index_cast %multiple_of3A_227 : i32 to index
      %swap3A_266 = tpu.vector_load %arg8[%swap3A_265] {strides = array<i32>} : memref<6400xi32, #tpu.memory_space<vmem>>, vector<16xi32>,
      %swap3A_267 = vector.shape_cast %swap3A_266 : vector<16xi32> to vector<16xi32>
      %swap3A_268 = vector.shape_cast %add3A_264 : vector<16xi32> to vector<16xi32>
      tpu.vector_store %arg8[%swap3A_265], %swap3A_268 {strides = array<i32>} : memref<6400xi32, #tpu.memory_space<vmem>>, vector<16xi32>,
      %add3A_269 = arith.constant 20819968 : i32
      %add3A_270 = vector.broadcast %add3A_269 : i32 to vector<16xi32>
      %add3A_271 = arith.addi %add3A_258, %add3A_270 : vector<16xi32>
      %swap3A_272 = arith.index_cast %multiple_of3A_227 : i32 to index
      %swap3A_273 = tpu.vector_load %arg9[%swap3A_272] {strides = array<i32>} : memref<6400xi32, #tpu.memory_space<vmem>>, vector<16xi32>,
      %swap3A_274 = vector.shape_cast %swap3A_273 : vector<16xi32> to vector<16xi32>
      %swap3A_275 = vector.shape_cast %add3A_271 : vector<16xi32> to vector<16xi32>
      tpu.vector_store %arg9[%swap3A_272], %swap3A_275 {strides = array<i32>} : memref<6400xi32, #tpu.memory_space<vmem>>, vector<16xi32>,
      %scan3A_276 = arith.constant 0 : i32
      scf.yield %scan3A_276 : i32
    }
    %scan3A_108 = arith.constant 400 : i32
    %dma_start3A_109 = arith.constant 0 : i32
    %dma_start3A_110 = tpu.memref_slice %arg3[%dma_start3A_109] : memref<31229952xf32, #tpu.memory_space<hbm>> -> memref<31229952xf32, #tpu.memory_space<hbm>>
    tpu.enqueue_indirect_dma source(%dma_start3A_110 : memref<31229952xf32, #tpu.memory_space<hbm>>) target(%arg13 : memref<6400xf32, #tpu.memory_space<vmem>>) offsets(%arg7 : memref<6400xi32, #tpu.memory_space<vmem>>) semaphore(%arg19 : memref<!tpu.dma_semaphore, #tpu.memory_space<semaphore_mem>>)
    %dma_start3A_111 = arith.constant 0 : i32
    %dma_start3A_112 = tpu.memref_slice %arg3[%dma_start3A_111] : memref<31229952xf32, #tpu.memory_space<hbm>> -> memref<31229952xf32, #tpu.memory_space<hbm>>
    tpu.enqueue_indirect_dma source(%dma_start3A_112 : memref<31229952xf32, #tpu.memory_space<hbm>>) target(%arg14 : memref<6400xf32, #tpu.memory_space<vmem>>) offsets(%arg8 : memref<6400xi32, #tpu.memory_space<vmem>>) semaphore(%arg19 : memref<!tpu.dma_semaphore, #tpu.memory_space<semaphore_mem>>)
    %dma_start3A_113 = arith.constant 0 : i32
    %dma_start3A_114 = tpu.memref_slice %arg3[%dma_start3A_113] : memref<31229952xf32, #tpu.memory_space<hbm>> -> memref<31229952xf32, #tpu.memory_space<hbm>>
    tpu.enqueue_indirect_dma source(%dma_start3A_114 : memref<31229952xf32, #tpu.memory_space<hbm>>) target(%arg15 : memref<6400xf32, #tpu.memory_space<vmem>>) offsets(%arg9 : memref<6400xi32, #tpu.memory_space<vmem>>) semaphore(%arg19 : memref<!tpu.dma_semaphore, #tpu.memory_space<semaphore_mem>>)
    %add3A_115 = arith.constant 19200 : i32
    %add3A_116 = arith.addi %mul3A_2, %add3A_115 : i32
    %dma_wait3A_117 = arith.constant 0 : i32
    %dma_wait3A_118 = tpu.memref_slice %arg3[%dma_wait3A_117] : memref<31229952xf32, #tpu.memory_space<hbm>> -> memref<31229952xf32, #tpu.memory_space<hbm>>
    tpu.wait_indirect_dma semaphore(%arg20 : memref<!tpu.dma_semaphore, #tpu.memory_space<semaphore_mem>>) src(%dma_wait3A_118 : memref<31229952xf32, #tpu.memory_space<hbm>>) dst(%arg16 : memref<6400xf32, #tpu.memory_space<vmem>>)
    %dma_wait3A_119 = arith.constant 0 : i32
    %dma_wait3A_120 = tpu.memref_slice %arg3[%dma_wait3A_119] : memref<31229952xf32, #tpu.memory_space<hbm>> -> memref<31229952xf32, #tpu.memory_space<hbm>>
    tpu.wait_indirect_dma semaphore(%arg20 : memref<!tpu.dma_semaphore, #tpu.memory_space<semaphore_mem>>) src(%dma_wait3A_120 : memref<31229952xf32, #tpu.memory_space<hbm>>) dst(%arg17 : memref<6400xf32, #tpu.memory_space<vmem>>)
    %dma_wait3A_121 = arith.constant 0 : i32
    %dma_wait3A_122 = tpu.memref_slice %arg3[%dma_wait3A_121] : memref<31229952xf32, #tpu.memory_space<hbm>> -> memref<31229952xf32, #tpu.memory_space<hbm>>
    tpu.wait_indirect_dma semaphore(%arg20 : memref<!tpu.dma_semaphore, #tpu.memory_space<semaphore_mem>>) src(%dma_wait3A_122 : memref<31229952xf32, #tpu.memory_space<hbm>>) dst(%arg18 : memref<6400xf32, #tpu.memory_space<vmem>>)
    "tpu.region"() ({
      %run_scoped3A = tpu.sem_alloc : memref<!tpu.dma_semaphore, #tpu.memory_space<semaphore_mem>>
      %dma_start3A_223 = tpu.memref_slice %arg4[%add3A_116] : memref<4915200xf32, #tpu.memory_space<hbm>> -> memref<6400xf32, #tpu.memory_space<hbm>>
      %dma_start3A_224 = tpu.memref_slice %arg4[%add3A_116] : memref<4915200xf32, #tpu.memory_space<hbm>> -> memref<6400xf32, #tpu.memory_space<hbm>>
      tpu.enqueue_dma source(%arg16 : memref<6400xf32, #tpu.memory_space<vmem>>) target(%dma_start3A_224 : memref<6400xf32, #tpu.memory_space<hbm>>) target_semaphore(%run_scoped3A : memref<!tpu.dma_semaphore, #tpu.memory_space<semaphore_mem>>)
      %dma_wait3A_225 = tpu.memref_slice %arg4[%add3A_116] : memref<4915200xf32, #tpu.memory_space<hbm>> -> memref<6400xf32, #tpu.memory_space<hbm>>
      %dma_wait3A_226 = tpu.memref_slice %arg4[%add3A_116] : memref<4915200xf32, #tpu.memory_space<hbm>> -> memref<6400xf32, #tpu.memory_space<hbm>>
      tpu.wait_dma2 semaphore(%run_scoped3A : memref<!tpu.dma_semaphore, #tpu.memory_space<semaphore_mem>>) src(%arg16 : memref<6400xf32, #tpu.memory_space<vmem>>) dst(%dma_wait3A_226 : memref<6400xf32, #tpu.memory_space<hbm>>)
      tpu.yield
    }) : () -> ()
    %add3A_123 = arith.constant 1638400 : i32
    %add3A_124 = arith.addi %add3A_123, %add3A_116 : i32
    "tpu.region"() ({
      %run_scoped3A = tpu.sem_alloc : memref<!tpu.dma_semaphore, #tpu.memory_space<semaphore_mem>>
      %dma_start3A_223 = tpu.memref_slice %arg4[%add3A_124] : memref<4915200xf32, #tpu.memory_space<hbm>> -> memref<6400xf32, #tpu.memory_space<hbm>>
      %dma_start3A_224 = tpu.memref_slice %arg4[%add3A_124] : memref<4915200xf32, #tpu.memory_space<hbm>> -> memref<6400xf32, #tpu.memory_space<hbm>>
      tpu.enqueue_dma source(%arg17 : memref<6400xf32, #tpu.memory_space<vmem>>) target(%dma_start3A_224 : memref<6400xf32, #tpu.memory_space<hbm>>) target_semaphore(%run_scoped3A : memref<!tpu.dma_semaphore, #tpu.memory_space<semaphore_mem>>)
      %dma_wait3A_225 = tpu.memref_slice %arg4[%add3A_124] : memref<4915200xf32, #tpu.memory_space<hbm>> -> memref<6400xf32, #tpu.memory_space<hbm>>
      %dma_wait3A_226 = tpu.memref_slice %arg4[%add3A_124] : memref<4915200xf32, #tpu.memory_space<hbm>> -> memref<6400xf32, #tpu.memory_space<hbm>>
      tpu.wait_dma2 semaphore(%run_scoped3A : memref<!tpu.dma_semaphore, #tpu.memory_space<semaphore_mem>>) src(%arg17 : memref<6400xf32, #tpu.memory_space<vmem>>) dst(%dma_wait3A_226 : memref<6400xf32, #tpu.memory_space<hbm>>)
      tpu.yield
    }) : () -> ()
    %add3A_125 = arith.constant 3276800 : i32
    %add3A_126 = arith.addi %add3A_125, %add3A_116 : i32
    "tpu.region"() ({
      %run_scoped3A = tpu.sem_alloc : memref<!tpu.dma_semaphore, #tpu.memory_space<semaphore_mem>>
      %dma_start3A_223 = tpu.memref_slice %arg4[%add3A_126] : memref<4915200xf32, #tpu.memory_space<hbm>> -> memref<6400xf32, #tpu.memory_space<hbm>>
      %dma_start3A_224 = tpu.memref_slice %arg4[%add3A_126] : memref<4915200xf32, #tpu.memory_space<hbm>> -> memref<6400xf32, #tpu.memory_space<hbm>>
      tpu.enqueue_dma source(%arg18 : memref<6400xf32, #tpu.memory_space<vmem>>) target(%dma_start3A_224 : memref<6400xf32, #tpu.memory_space<hbm>>) target_semaphore(%run_scoped3A : memref<!tpu.dma_semaphore, #tpu.memory_space<semaphore_mem>>)
      %dma_wait3A_225 = tpu.memref_slice %arg4[%add3A_126] : memref<4915200xf32, #tpu.memory_space<hbm>> -> memref<6400xf32, #tpu.memory_space<hbm>>
      %dma_wait3A_226 = tpu.memref_slice %arg4[%add3A_126] : memref<4915200xf32, #tpu.memory_space<hbm>> -> memref<6400xf32, #tpu.memory_space<hbm>>
      tpu.wait_dma2 semaphore(%run_scoped3A : memref<!tpu.dma_semaphore, #tpu.memory_space<semaphore_mem>>) src(%arg18 : memref<6400xf32, #tpu.memory_space<vmem>>) dst(%dma_wait3A_226 : memref<6400xf32, #tpu.memory_space<hbm>>)
      tpu.yield
    }) : () -> ()
    %add3A_127 = arith.constant 32000 : i32
    %add3A_128 = arith.addi %mul3A_2, %add3A_127 : i32
    %multiple_of3A_129 = tpu.assume_multiple %add3A_128, 6400 : i32
    "tpu.region"() ({
      %run_scoped3A = tpu.sem_alloc : memref<!tpu.dma_semaphore, #tpu.memory_space<semaphore_mem>>
      %dma_start3A_223 = tpu.memref_slice %arg2[%multiple_of3A_129] : memref<1638400xi32, #tpu.memory_space<hbm>> -> memref<6400xi32, #tpu.memory_space<hbm>>
      %dma_start3A_224 = tpu.memref_slice %arg2[%multiple_of3A_129] : memref<1638400xi32, #tpu.memory_space<hbm>> -> memref<6400xi32, #tpu.memory_space<hbm>>
      tpu.enqueue_dma source(%dma_start3A_224 : memref<6400xi32, #tpu.memory_space<hbm>>) target(%arg6 : memref<6400xi32, #tpu.memory_space<vmem>>) target_semaphore(%run_scoped3A : memref<!tpu.dma_semaphore, #tpu.memory_space<semaphore_mem>>)
      %dma_wait3A_225 = tpu.memref_slice %arg2[%multiple_of3A_129] : memref<1638400xi32, #tpu.memory_space<hbm>> -> memref<6400xi32, #tpu.memory_space<hbm>>
      %dma_wait3A_226 = tpu.memref_slice %arg2[%multiple_of3A_129] : memref<1638400xi32, #tpu.memory_space<hbm>> -> memref<6400xi32, #tpu.memory_space<hbm>>
      tpu.wait_dma2 semaphore(%run_scoped3A : memref<!tpu.dma_semaphore, #tpu.memory_space<semaphore_mem>>) src(%dma_wait3A_226 : memref<6400xi32, #tpu.memory_space<hbm>>) dst(%arg6 : memref<6400xi32, #tpu.memory_space<vmem>>)
      tpu.yield
    }) : () -> ()
    %scan3A_130 = arith.constant 0 : i32
    %scan3A_131 = arith.constant 0 : i32
    %scan3A_132 = arith.constant 400 : i32
    %scan3A_133 = arith.addi %scan3A_131, %scan3A_132 : i32
    %scan3A_134 = arith.constant 1 : i32
    %scan3A_135 = scf.for %scan3A_223 = %scan3A_131 to %scan3A_133 step %scan3A_134 iter_args(%scan3A_224 = %scan3A_130) -> (i32)  : i32 {
      %mul3A_225 = arith.constant 16 : i32
      %mul3A_226 = arith.muli %scan3A_223, %mul3A_225 : i32
      %multiple_of3A_227 = tpu.assume_multiple %mul3A_226, 16 : i32
      %mul3A_228 = arith.constant 16 : i32
      %mul3A_229 = arith.muli %scan3A_223, %mul3A_228 : i32
      %add3A_230 = arith.addi %multiple_of3A_129, %mul3A_229 : i32
      %add3A_231 = vector.broadcast %add3A_230 : i32 to vector<16xi32>
      %add3A_232 = arith.addi %iota3A, %add3A_231 : vector<16xi32>
      %shift_right_arithmetic3A = arith.constant 14 : i32
      %shift_right_arithmetic3A_233 = vector.broadcast %shift_right_arithmetic3A : i32 to vector<16xi32>
      %shift_right_arithmetic3A_234 = arith.shrsi %add3A_232, %shift_right_arithmetic3A_233 : vector<16xi32>
      %get3A = arith.index_cast %multiple_of3A_227 : i32 to index
      %get3A_235 = tpu.vector_load %arg6[%get3A] {strides = array<i32>} : memref<6400xi32, #tpu.memory_space<vmem>>, vector<16xi32>,
      %get3A_236 = vector.shape_cast %get3A_235 : vector<16xi32> to vector<16xi32>
      %shift_right_arithmetic3A_237 = arith.constant 7 : i32
      %shift_right_arithmetic3A_238 = vector.broadcast %shift_right_arithmetic3A_237 : i32 to vector<16xi32>
      %shift_right_arithmetic3A_239 = arith.shrsi %get3A_236, %shift_right_arithmetic3A_238 : vector<16xi32>
      %shift_left3A = arith.constant 10 : i32
      %shift_left3A_240 = vector.broadcast %shift_left3A : i32 to vector<16xi32>
      %shift_left3A_241 = arith.shli %shift_right_arithmetic3A_239, %shift_left3A_240 : vector<16xi32>
      %and3A = arith.constant 127 : i32
      %and3A_242 = vector.broadcast %and3A : i32 to vector<16xi32>
      %and3A_243 = arith.andi %get3A_236, %and3A_242 : vector<16xi32>
      %add3A_244 = arith.addi %shift_left3A_241, %and3A_243 : vector<16xi32>
      %shift_right_arithmetic3A_245 = arith.constant 3 : i32
      %shift_right_arithmetic3A_246 = vector.broadcast %shift_right_arithmetic3A_245 : i32 to vector<16xi32>
      %shift_right_arithmetic3A_247 = arith.shrsi %shift_right_arithmetic3A_234, %shift_right_arithmetic3A_246 : vector<16xi32>
      %mul3A_248 = arith.constant 800768 : i32
      %mul3A_249 = vector.broadcast %mul3A_248 : i32 to vector<16xi32>
      %mul3A_250 = arith.muli %shift_right_arithmetic3A_247, %mul3A_249 : vector<16xi32>
      %and3A_251 = arith.constant 7 : i32
      %and3A_252 = vector.broadcast %and3A_251 : i32 to vector<16xi32>
      %and3A_253 = arith.andi %shift_right_arithmetic3A_234, %and3A_252 : vector<16xi32>
      %shift_left3A_254 = arith.constant 7 : i32
      %shift_left3A_255 = vector.broadcast %shift_left3A_254 : i32 to vector<16xi32>
      %shift_left3A_256 = arith.shli %and3A_253, %shift_left3A_255 : vector<16xi32>
      %add3A_257 = arith.addi %mul3A_250, %shift_left3A_256 : vector<16xi32>
      %add3A_258 = arith.addi %add3A_244, %add3A_257 : vector<16xi32>
      %swap3A = arith.index_cast %multiple_of3A_227 : i32 to index
      %swap3A_259 = tpu.vector_load %arg10[%swap3A] {strides = array<i32>} : memref<6400xi32, #tpu.memory_space<vmem>>, vector<16xi32>,
      %swap3A_260 = vector.shape_cast %swap3A_259 : vector<16xi32> to vector<16xi32>
      %swap3A_261 = vector.shape_cast %add3A_258 : vector<16xi32> to vector<16xi32>
      tpu.vector_store %arg10[%swap3A], %swap3A_261 {strides = array<i32>} : memref<6400xi32, #tpu.memory_space<vmem>>, vector<16xi32>,
      %add3A_262 = arith.constant 10409984 : i32
      %add3A_263 = vector.broadcast %add3A_262 : i32 to vector<16xi32>
      %add3A_264 = arith.addi %add3A_258, %add3A_263 : vector<16xi32>
      %swap3A_265 = arith.index_cast %multiple_of3A_227 : i32 to index
      %swap3A_266 = tpu.vector_load %arg11[%swap3A_265] {strides = array<i32>} : memref<6400xi32, #tpu.memory_space<vmem>>, vector<16xi32>,
      %swap3A_267 = vector.shape_cast %swap3A_266 : vector<16xi32> to vector<16xi32>
      %swap3A_268 = vector.shape_cast %add3A_264 : vector<16xi32> to vector<16xi32>
      tpu.vector_store %arg11[%swap3A_265], %swap3A_268 {strides = array<i32>} : memref<6400xi32, #tpu.memory_space<vmem>>, vector<16xi32>,
      %add3A_269 = arith.constant 20819968 : i32
      %add3A_270 = vector.broadcast %add3A_269 : i32 to vector<16xi32>
      %add3A_271 = arith.addi %add3A_258, %add3A_270 : vector<16xi32>
      %swap3A_272 = arith.index_cast %multiple_of3A_227 : i32 to index
      %swap3A_273 = tpu.vector_load %arg12[%swap3A_272] {strides = array<i32>} : memref<6400xi32, #tpu.memory_space<vmem>>, vector<16xi32>,
      %swap3A_274 = vector.shape_cast %swap3A_273 : vector<16xi32> to vector<16xi32>
      %swap3A_275 = vector.shape_cast %add3A_271 : vector<16xi32> to vector<16xi32>
      tpu.vector_store %arg12[%swap3A_272], %swap3A_275 {strides = array<i32>} : memref<6400xi32, #tpu.memory_space<vmem>>, vector<16xi32>,
      %scan3A_276 = arith.constant 0 : i32
      scf.yield %scan3A_276 : i32
    }
    %scan3A_136 = arith.constant 400 : i32
    %dma_start3A_137 = arith.constant 0 : i32
    %dma_start3A_138 = tpu.memref_slice %arg3[%dma_start3A_137] : memref<31229952xf32, #tpu.memory_space<hbm>> -> memref<31229952xf32, #tpu.memory_space<hbm>>
    tpu.enqueue_indirect_dma source(%dma_start3A_138 : memref<31229952xf32, #tpu.memory_space<hbm>>) target(%arg16 : memref<6400xf32, #tpu.memory_space<vmem>>) offsets(%arg10 : memref<6400xi32, #tpu.memory_space<vmem>>) semaphore(%arg20 : memref<!tpu.dma_semaphore, #tpu.memory_space<semaphore_mem>>)
    %dma_start3A_139 = arith.constant 0 : i32
    %dma_start3A_140 = tpu.memref_slice %arg3[%dma_start3A_139] : memref<31229952xf32, #tpu.memory_space<hbm>> -> memref<31229952xf32, #tpu.memory_space<hbm>>
    tpu.enqueue_indirect_dma source(%dma_start3A_140 : memref<31229952xf32, #tpu.memory_space<hbm>>) target(%arg17 : memref<6400xf32, #tpu.memory_space<vmem>>) offsets(%arg11 : memref<6400xi32, #tpu.memory_space<vmem>>) semaphore(%arg20 : memref<!tpu.dma_semaphore, #tpu.memory_space<semaphore_mem>>)
    %dma_start3A_141 = arith.constant 0 : i32
    %dma_start3A_142 = tpu.memref_slice %arg3[%dma_start3A_141] : memref<31229952xf32, #tpu.memory_space<hbm>> -> memref<31229952xf32, #tpu.memory_space<hbm>>
    tpu.enqueue_indirect_dma source(%dma_start3A_142 : memref<31229952xf32, #tpu.memory_space<hbm>>) target(%arg18 : memref<6400xf32, #tpu.memory_space<vmem>>) offsets(%arg12 : memref<6400xi32, #tpu.memory_space<vmem>>) semaphore(%arg20 : memref<!tpu.dma_semaphore, #tpu.memory_space<semaphore_mem>>)
    %add3A_143 = arith.constant 25600 : i32
    %add3A_144 = arith.addi %mul3A_2, %add3A_143 : i32
    %dma_wait3A_145 = arith.constant 0 : i32
    %dma_wait3A_146 = tpu.memref_slice %arg3[%dma_wait3A_145] : memref<31229952xf32, #tpu.memory_space<hbm>> -> memref<31229952xf32, #tpu.memory_space<hbm>>
    tpu.wait_indirect_dma semaphore(%arg19 : memref<!tpu.dma_semaphore, #tpu.memory_space<semaphore_mem>>) src(%dma_wait3A_146 : memref<31229952xf32, #tpu.memory_space<hbm>>) dst(%arg13 : memref<6400xf32, #tpu.memory_space<vmem>>)
    %dma_wait3A_147 = arith.constant 0 : i32
    %dma_wait3A_148 = tpu.memref_slice %arg3[%dma_wait3A_147] : memref<31229952xf32, #tpu.memory_space<hbm>> -> memref<31229952xf32, #tpu.memory_space<hbm>>
    tpu.wait_indirect_dma semaphore(%arg19 : memref<!tpu.dma_semaphore, #tpu.memory_space<semaphore_mem>>) src(%dma_wait3A_148 : memref<31229952xf32, #tpu.memory_space<hbm>>) dst(%arg14 : memref<6400xf32, #tpu.memory_space<vmem>>)
    %dma_wait3A_149 = arith.constant 0 : i32
    %dma_wait3A_150 = tpu.memref_slice %arg3[%dma_wait3A_149] : memref<31229952xf32, #tpu.memory_space<hbm>> -> memref<31229952xf32, #tpu.memory_space<hbm>>
    tpu.wait_indirect_dma semaphore(%arg19 : memref<!tpu.dma_semaphore, #tpu.memory_space<semaphore_mem>>) src(%dma_wait3A_150 : memref<31229952xf32, #tpu.memory_space<hbm>>) dst(%arg15 : memref<6400xf32, #tpu.memory_space<vmem>>)
    "tpu.region"() ({
      %run_scoped3A = tpu.sem_alloc : memref<!tpu.dma_semaphore, #tpu.memory_space<semaphore_mem>>
      %dma_start3A_223 = tpu.memref_slice %arg4[%add3A_144] : memref<4915200xf32, #tpu.memory_space<hbm>> -> memref<6400xf32, #tpu.memory_space<hbm>>
      %dma_start3A_224 = tpu.memref_slice %arg4[%add3A_144] : memref<4915200xf32, #tpu.memory_space<hbm>> -> memref<6400xf32, #tpu.memory_space<hbm>>
      tpu.enqueue_dma source(%arg13 : memref<6400xf32, #tpu.memory_space<vmem>>) target(%dma_start3A_224 : memref<6400xf32, #tpu.memory_space<hbm>>) target_semaphore(%run_scoped3A : memref<!tpu.dma_semaphore, #tpu.memory_space<semaphore_mem>>)
      %dma_wait3A_225 = tpu.memref_slice %arg4[%add3A_144] : memref<4915200xf32, #tpu.memory_space<hbm>> -> memref<6400xf32, #tpu.memory_space<hbm>>
      %dma_wait3A_226 = tpu.memref_slice %arg4[%add3A_144] : memref<4915200xf32, #tpu.memory_space<hbm>> -> memref<6400xf32, #tpu.memory_space<hbm>>
      tpu.wait_dma2 semaphore(%run_scoped3A : memref<!tpu.dma_semaphore, #tpu.memory_space<semaphore_mem>>) src(%arg13 : memref<6400xf32, #tpu.memory_space<vmem>>) dst(%dma_wait3A_226 : memref<6400xf32, #tpu.memory_space<hbm>>)
      tpu.yield
    }) : () -> ()
    %add3A_151 = arith.constant 1638400 : i32
    %add3A_152 = arith.addi %add3A_151, %add3A_144 : i32
    "tpu.region"() ({
      %run_scoped3A = tpu.sem_alloc : memref<!tpu.dma_semaphore, #tpu.memory_space<semaphore_mem>>
      %dma_start3A_223 = tpu.memref_slice %arg4[%add3A_152] : memref<4915200xf32, #tpu.memory_space<hbm>> -> memref<6400xf32, #tpu.memory_space<hbm>>
      %dma_start3A_224 = tpu.memref_slice %arg4[%add3A_152] : memref<4915200xf32, #tpu.memory_space<hbm>> -> memref<6400xf32, #tpu.memory_space<hbm>>
      tpu.enqueue_dma source(%arg14 : memref<6400xf32, #tpu.memory_space<vmem>>) target(%dma_start3A_224 : memref<6400xf32, #tpu.memory_space<hbm>>) target_semaphore(%run_scoped3A : memref<!tpu.dma_semaphore, #tpu.memory_space<semaphore_mem>>)
      %dma_wait3A_225 = tpu.memref_slice %arg4[%add3A_152] : memref<4915200xf32, #tpu.memory_space<hbm>> -> memref<6400xf32, #tpu.memory_space<hbm>>
      %dma_wait3A_226 = tpu.memref_slice %arg4[%add3A_152] : memref<4915200xf32, #tpu.memory_space<hbm>> -> memref<6400xf32, #tpu.memory_space<hbm>>
      tpu.wait_dma2 semaphore(%run_scoped3A : memref<!tpu.dma_semaphore, #tpu.memory_space<semaphore_mem>>) src(%arg14 : memref<6400xf32, #tpu.memory_space<vmem>>) dst(%dma_wait3A_226 : memref<6400xf32, #tpu.memory_space<hbm>>)
      tpu.yield
    }) : () -> ()
    %add3A_153 = arith.constant 3276800 : i32
    %add3A_154 = arith.addi %add3A_153, %add3A_144 : i32
    "tpu.region"() ({
      %run_scoped3A = tpu.sem_alloc : memref<!tpu.dma_semaphore, #tpu.memory_space<semaphore_mem>>
      %dma_start3A_223 = tpu.memref_slice %arg4[%add3A_154] : memref<4915200xf32, #tpu.memory_space<hbm>> -> memref<6400xf32, #tpu.memory_space<hbm>>
      %dma_start3A_224 = tpu.memref_slice %arg4[%add3A_154] : memref<4915200xf32, #tpu.memory_space<hbm>> -> memref<6400xf32, #tpu.memory_space<hbm>>
      tpu.enqueue_dma source(%arg15 : memref<6400xf32, #tpu.memory_space<vmem>>) target(%dma_start3A_224 : memref<6400xf32, #tpu.memory_space<hbm>>) target_semaphore(%run_scoped3A : memref<!tpu.dma_semaphore, #tpu.memory_space<semaphore_mem>>)
      %dma_wait3A_225 = tpu.memref_slice %arg4[%add3A_154] : memref<4915200xf32, #tpu.memory_space<hbm>> -> memref<6400xf32, #tpu.memory_space<hbm>>
      %dma_wait3A_226 = tpu.memref_slice %arg4[%add3A_154] : memref<4915200xf32, #tpu.memory_space<hbm>> -> memref<6400xf32, #tpu.memory_space<hbm>>
      tpu.wait_dma2 semaphore(%run_scoped3A : memref<!tpu.dma_semaphore, #tpu.memory_space<semaphore_mem>>) src(%arg15 : memref<6400xf32, #tpu.memory_space<vmem>>) dst(%dma_wait3A_226 : memref<6400xf32, #tpu.memory_space<hbm>>)
      tpu.yield
    }) : () -> ()
    %add3A_155 = arith.constant 38400 : i32
    %add3A_156 = arith.addi %mul3A_2, %add3A_155 : i32
    %multiple_of3A_157 = tpu.assume_multiple %add3A_156, 6400 : i32
    "tpu.region"() ({
      %run_scoped3A = tpu.sem_alloc : memref<!tpu.dma_semaphore, #tpu.memory_space<semaphore_mem>>
      %dma_start3A_223 = tpu.memref_slice %arg2[%multiple_of3A_157] : memref<1638400xi32, #tpu.memory_space<hbm>> -> memref<6400xi32, #tpu.memory_space<hbm>>
      %dma_start3A_224 = tpu.memref_slice %arg2[%multiple_of3A_157] : memref<1638400xi32, #tpu.memory_space<hbm>> -> memref<6400xi32, #tpu.memory_space<hbm>>
      tpu.enqueue_dma source(%dma_start3A_224 : memref<6400xi32, #tpu.memory_space<hbm>>) target(%arg5 : memref<6400xi32, #tpu.memory_space<vmem>>) target_semaphore(%run_scoped3A : memref<!tpu.dma_semaphore, #tpu.memory_space<semaphore_mem>>)
      %dma_wait3A_225 = tpu.memref_slice %arg2[%multiple_of3A_157] : memref<1638400xi32, #tpu.memory_space<hbm>> -> memref<6400xi32, #tpu.memory_space<hbm>>
      %dma_wait3A_226 = tpu.memref_slice %arg2[%multiple_of3A_157] : memref<1638400xi32, #tpu.memory_space<hbm>> -> memref<6400xi32, #tpu.memory_space<hbm>>
      tpu.wait_dma2 semaphore(%run_scoped3A : memref<!tpu.dma_semaphore, #tpu.memory_space<semaphore_mem>>) src(%dma_wait3A_226 : memref<6400xi32, #tpu.memory_space<hbm>>) dst(%arg5 : memref<6400xi32, #tpu.memory_space<vmem>>)
      tpu.yield
    }) : () -> ()
    %scan3A_158 = arith.constant 0 : i32
    %scan3A_159 = arith.constant 0 : i32
    %scan3A_160 = arith.constant 400 : i32
    %scan3A_161 = arith.addi %scan3A_159, %scan3A_160 : i32
    %scan3A_162 = arith.constant 1 : i32
    %scan3A_163 = scf.for %scan3A_223 = %scan3A_159 to %scan3A_161 step %scan3A_162 iter_args(%scan3A_224 = %scan3A_158) -> (i32)  : i32 {
      %mul3A_225 = arith.constant 16 : i32
      %mul3A_226 = arith.muli %scan3A_223, %mul3A_225 : i32
      %multiple_of3A_227 = tpu.assume_multiple %mul3A_226, 16 : i32
      %mul3A_228 = arith.constant 16 : i32
      %mul3A_229 = arith.muli %scan3A_223, %mul3A_228 : i32
      %add3A_230 = arith.addi %multiple_of3A_157, %mul3A_229 : i32
      %add3A_231 = vector.broadcast %add3A_230 : i32 to vector<16xi32>
      %add3A_232 = arith.addi %iota3A, %add3A_231 : vector<16xi32>
      %shift_right_arithmetic3A = arith.constant 14 : i32
      %shift_right_arithmetic3A_233 = vector.broadcast %shift_right_arithmetic3A : i32 to vector<16xi32>
      %shift_right_arithmetic3A_234 = arith.shrsi %add3A_232, %shift_right_arithmetic3A_233 : vector<16xi32>
      %get3A = arith.index_cast %multiple_of3A_227 : i32 to index
      %get3A_235 = tpu.vector_load %arg5[%get3A] {strides = array<i32>} : memref<6400xi32, #tpu.memory_space<vmem>>, vector<16xi32>,
      %get3A_236 = vector.shape_cast %get3A_235 : vector<16xi32> to vector<16xi32>
      %shift_right_arithmetic3A_237 = arith.constant 7 : i32
      %shift_right_arithmetic3A_238 = vector.broadcast %shift_right_arithmetic3A_237 : i32 to vector<16xi32>
      %shift_right_arithmetic3A_239 = arith.shrsi %get3A_236, %shift_right_arithmetic3A_238 : vector<16xi32>
      %shift_left3A = arith.constant 10 : i32
      %shift_left3A_240 = vector.broadcast %shift_left3A : i32 to vector<16xi32>
      %shift_left3A_241 = arith.shli %shift_right_arithmetic3A_239, %shift_left3A_240 : vector<16xi32>
      %and3A = arith.constant 127 : i32
      %and3A_242 = vector.broadcast %and3A : i32 to vector<16xi32>
      %and3A_243 = arith.andi %get3A_236, %and3A_242 : vector<16xi32>
      %add3A_244 = arith.addi %shift_left3A_241, %and3A_243 : vector<16xi32>
      %shift_right_arithmetic3A_245 = arith.constant 3 : i32
      %shift_right_arithmetic3A_246 = vector.broadcast %shift_right_arithmetic3A_245 : i32 to vector<16xi32>
      %shift_right_arithmetic3A_247 = arith.shrsi %shift_right_arithmetic3A_234, %shift_right_arithmetic3A_246 : vector<16xi32>
      %mul3A_248 = arith.constant 800768 : i32
      %mul3A_249 = vector.broadcast %mul3A_248 : i32 to vector<16xi32>
      %mul3A_250 = arith.muli %shift_right_arithmetic3A_247, %mul3A_249 : vector<16xi32>
      %and3A_251 = arith.constant 7 : i32
      %and3A_252 = vector.broadcast %and3A_251 : i32 to vector<16xi32>
      %and3A_253 = arith.andi %shift_right_arithmetic3A_234, %and3A_252 : vector<16xi32>
      %shift_left3A_254 = arith.constant 7 : i32
      %shift_left3A_255 = vector.broadcast %shift_left3A_254 : i32 to vector<16xi32>
      %shift_left3A_256 = arith.shli %and3A_253, %shift_left3A_255 : vector<16xi32>
      %add3A_257 = arith.addi %mul3A_250, %shift_left3A_256 : vector<16xi32>
      %add3A_258 = arith.addi %add3A_244, %add3A_257 : vector<16xi32>
      %swap3A = arith.index_cast %multiple_of3A_227 : i32 to index
      %swap3A_259 = tpu.vector_load %arg7[%swap3A] {strides = array<i32>} : memref<6400xi32, #tpu.memory_space<vmem>>, vector<16xi32>,
      %swap3A_260 = vector.shape_cast %swap3A_259 : vector<16xi32> to vector<16xi32>
      %swap3A_261 = vector.shape_cast %add3A_258 : vector<16xi32> to vector<16xi32>
      tpu.vector_store %arg7[%swap3A], %swap3A_261 {strides = array<i32>} : memref<6400xi32, #tpu.memory_space<vmem>>, vector<16xi32>,
      %add3A_262 = arith.constant 10409984 : i32
      %add3A_263 = vector.broadcast %add3A_262 : i32 to vector<16xi32>
      %add3A_264 = arith.addi %add3A_258, %add3A_263 : vector<16xi32>
      %swap3A_265 = arith.index_cast %multiple_of3A_227 : i32 to index
      %swap3A_266 = tpu.vector_load %arg8[%swap3A_265] {strides = array<i32>} : memref<6400xi32, #tpu.memory_space<vmem>>, vector<16xi32>,
      %swap3A_267 = vector.shape_cast %swap3A_266 : vector<16xi32> to vector<16xi32>
      %swap3A_268 = vector.shape_cast %add3A_264 : vector<16xi32> to vector<16xi32>
      tpu.vector_store %arg8[%swap3A_265], %swap3A_268 {strides = array<i32>} : memref<6400xi32, #tpu.memory_space<vmem>>, vector<16xi32>,
      %add3A_269 = arith.constant 20819968 : i32
      %add3A_270 = vector.broadcast %add3A_269 : i32 to vector<16xi32>
      %add3A_271 = arith.addi %add3A_258, %add3A_270 : vector<16xi32>
      %swap3A_272 = arith.index_cast %multiple_of3A_227 : i32 to index
      %swap3A_273 = tpu.vector_load %arg9[%swap3A_272] {strides = array<i32>} : memref<6400xi32, #tpu.memory_space<vmem>>, vector<16xi32>,
      %swap3A_274 = vector.shape_cast %swap3A_273 : vector<16xi32> to vector<16xi32>
      %swap3A_275 = vector.shape_cast %add3A_271 : vector<16xi32> to vector<16xi32>
      tpu.vector_store %arg9[%swap3A_272], %swap3A_275 {strides = array<i32>} : memref<6400xi32, #tpu.memory_space<vmem>>, vector<16xi32>,
      %scan3A_276 = arith.constant 0 : i32
      scf.yield %scan3A_276 : i32
    }
    %scan3A_164 = arith.constant 400 : i32
    %dma_start3A_165 = arith.constant 0 : i32
    %dma_start3A_166 = tpu.memref_slice %arg3[%dma_start3A_165] : memref<31229952xf32, #tpu.memory_space<hbm>> -> memref<31229952xf32, #tpu.memory_space<hbm>>
    tpu.enqueue_indirect_dma source(%dma_start3A_166 : memref<31229952xf32, #tpu.memory_space<hbm>>) target(%arg13 : memref<6400xf32, #tpu.memory_space<vmem>>) offsets(%arg7 : memref<6400xi32, #tpu.memory_space<vmem>>) semaphore(%arg19 : memref<!tpu.dma_semaphore, #tpu.memory_space<semaphore_mem>>)
    %dma_start3A_167 = arith.constant 0 : i32
    %dma_start3A_168 = tpu.memref_slice %arg3[%dma_start3A_167] : memref<31229952xf32, #tpu.memory_space<hbm>> -> memref<31229952xf32, #tpu.memory_space<hbm>>
    tpu.enqueue_indirect_dma source(%dma_start3A_168 : memref<31229952xf32, #tpu.memory_space<hbm>>) target(%arg14 : memref<6400xf32, #tpu.memory_space<vmem>>) offsets(%arg8 : memref<6400xi32, #tpu.memory_space<vmem>>) semaphore(%arg19 : memref<!tpu.dma_semaphore, #tpu.memory_space<semaphore_mem>>)
    %dma_start3A_169 = arith.constant 0 : i32
    %dma_start3A_170 = tpu.memref_slice %arg3[%dma_start3A_169] : memref<31229952xf32, #tpu.memory_space<hbm>> -> memref<31229952xf32, #tpu.memory_space<hbm>>
    tpu.enqueue_indirect_dma source(%dma_start3A_170 : memref<31229952xf32, #tpu.memory_space<hbm>>) target(%arg15 : memref<6400xf32, #tpu.memory_space<vmem>>) offsets(%arg9 : memref<6400xi32, #tpu.memory_space<vmem>>) semaphore(%arg19 : memref<!tpu.dma_semaphore, #tpu.memory_space<semaphore_mem>>)
    %add3A_171 = arith.constant 32000 : i32
    %add3A_172 = arith.addi %mul3A_2, %add3A_171 : i32
    %dma_wait3A_173 = arith.constant 0 : i32
    %dma_wait3A_174 = tpu.memref_slice %arg3[%dma_wait3A_173] : memref<31229952xf32, #tpu.memory_space<hbm>> -> memref<31229952xf32, #tpu.memory_space<hbm>>
    tpu.wait_indirect_dma semaphore(%arg20 : memref<!tpu.dma_semaphore, #tpu.memory_space<semaphore_mem>>) src(%dma_wait3A_174 : memref<31229952xf32, #tpu.memory_space<hbm>>) dst(%arg16 : memref<6400xf32, #tpu.memory_space<vmem>>)
    %dma_wait3A_175 = arith.constant 0 : i32
    %dma_wait3A_176 = tpu.memref_slice %arg3[%dma_wait3A_175] : memref<31229952xf32, #tpu.memory_space<hbm>> -> memref<31229952xf32, #tpu.memory_space<hbm>>
    tpu.wait_indirect_dma semaphore(%arg20 : memref<!tpu.dma_semaphore, #tpu.memory_space<semaphore_mem>>) src(%dma_wait3A_176 : memref<31229952xf32, #tpu.memory_space<hbm>>) dst(%arg17 : memref<6400xf32, #tpu.memory_space<vmem>>)
    %dma_wait3A_177 = arith.constant 0 : i32
    %dma_wait3A_178 = tpu.memref_slice %arg3[%dma_wait3A_177] : memref<31229952xf32, #tpu.memory_space<hbm>> -> memref<31229952xf32, #tpu.memory_space<hbm>>
    tpu.wait_indirect_dma semaphore(%arg20 : memref<!tpu.dma_semaphore, #tpu.memory_space<semaphore_mem>>) src(%dma_wait3A_178 : memref<31229952xf32, #tpu.memory_space<hbm>>) dst(%arg18 : memref<6400xf32, #tpu.memory_space<vmem>>)
    "tpu.region"() ({
      %run_scoped3A = tpu.sem_alloc : memref<!tpu.dma_semaphore, #tpu.memory_space<semaphore_mem>>
      %dma_start3A_223 = tpu.memref_slice %arg4[%add3A_172] : memref<4915200xf32, #tpu.memory_space<hbm>> -> memref<6400xf32, #tpu.memory_space<hbm>>
      %dma_start3A_224 = tpu.memref_slice %arg4[%add3A_172] : memref<4915200xf32, #tpu.memory_space<hbm>> -> memref<6400xf32, #tpu.memory_space<hbm>>
      tpu.enqueue_dma source(%arg16 : memref<6400xf32, #tpu.memory_space<vmem>>) target(%dma_start3A_224 : memref<6400xf32, #tpu.memory_space<hbm>>) target_semaphore(%run_scoped3A : memref<!tpu.dma_semaphore, #tpu.memory_space<semaphore_mem>>)
      %dma_wait3A_225 = tpu.memref_slice %arg4[%add3A_172] : memref<4915200xf32, #tpu.memory_space<hbm>> -> memref<6400xf32, #tpu.memory_space<hbm>>
      %dma_wait3A_226 = tpu.memref_slice %arg4[%add3A_172] : memref<4915200xf32, #tpu.memory_space<hbm>> -> memref<6400xf32, #tpu.memory_space<hbm>>
      tpu.wait_dma2 semaphore(%run_scoped3A : memref<!tpu.dma_semaphore, #tpu.memory_space<semaphore_mem>>) src(%arg16 : memref<6400xf32, #tpu.memory_space<vmem>>) dst(%dma_wait3A_226 : memref<6400xf32, #tpu.memory_space<hbm>>)
      tpu.yield
    }) : () -> ()
    %add3A_179 = arith.constant 1638400 : i32
    %add3A_180 = arith.addi %add3A_179, %add3A_172 : i32
    "tpu.region"() ({
      %run_scoped3A = tpu.sem_alloc : memref<!tpu.dma_semaphore, #tpu.memory_space<semaphore_mem>>
      %dma_start3A_223 = tpu.memref_slice %arg4[%add3A_180] : memref<4915200xf32, #tpu.memory_space<hbm>> -> memref<6400xf32, #tpu.memory_space<hbm>>
      %dma_start3A_224 = tpu.memref_slice %arg4[%add3A_180] : memref<4915200xf32, #tpu.memory_space<hbm>> -> memref<6400xf32, #tpu.memory_space<hbm>>
      tpu.enqueue_dma source(%arg17 : memref<6400xf32, #tpu.memory_space<vmem>>) target(%dma_start3A_224 : memref<6400xf32, #tpu.memory_space<hbm>>) target_semaphore(%run_scoped3A : memref<!tpu.dma_semaphore, #tpu.memory_space<semaphore_mem>>)
      %dma_wait3A_225 = tpu.memref_slice %arg4[%add3A_180] : memref<4915200xf32, #tpu.memory_space<hbm>> -> memref<6400xf32, #tpu.memory_space<hbm>>
      %dma_wait3A_226 = tpu.memref_slice %arg4[%add3A_180] : memref<4915200xf32, #tpu.memory_space<hbm>> -> memref<6400xf32, #tpu.memory_space<hbm>>
      tpu.wait_dma2 semaphore(%run_scoped3A : memref<!tpu.dma_semaphore, #tpu.memory_space<semaphore_mem>>) src(%arg17 : memref<6400xf32, #tpu.memory_space<vmem>>) dst(%dma_wait3A_226 : memref<6400xf32, #tpu.memory_space<hbm>>)
      tpu.yield
    }) : () -> ()
    %add3A_181 = arith.constant 3276800 : i32
    %add3A_182 = arith.addi %add3A_181, %add3A_172 : i32
    "tpu.region"() ({
      %run_scoped3A = tpu.sem_alloc : memref<!tpu.dma_semaphore, #tpu.memory_space<semaphore_mem>>
      %dma_start3A_223 = tpu.memref_slice %arg4[%add3A_182] : memref<4915200xf32, #tpu.memory_space<hbm>> -> memref<6400xf32, #tpu.memory_space<hbm>>
      %dma_start3A_224 = tpu.memref_slice %arg4[%add3A_182] : memref<4915200xf32, #tpu.memory_space<hbm>> -> memref<6400xf32, #tpu.memory_space<hbm>>
      tpu.enqueue_dma source(%arg18 : memref<6400xf32, #tpu.memory_space<vmem>>) target(%dma_start3A_224 : memref<6400xf32, #tpu.memory_space<hbm>>) target_semaphore(%run_scoped3A : memref<!tpu.dma_semaphore, #tpu.memory_space<semaphore_mem>>)
      %dma_wait3A_225 = tpu.memref_slice %arg4[%add3A_182] : memref<4915200xf32, #tpu.memory_space<hbm>> -> memref<6400xf32, #tpu.memory_space<hbm>>
      %dma_wait3A_226 = tpu.memref_slice %arg4[%add3A_182] : memref<4915200xf32, #tpu.memory_space<hbm>> -> memref<6400xf32, #tpu.memory_space<hbm>>
      tpu.wait_dma2 semaphore(%run_scoped3A : memref<!tpu.dma_semaphore, #tpu.memory_space<semaphore_mem>>) src(%arg18 : memref<6400xf32, #tpu.memory_space<vmem>>) dst(%dma_wait3A_226 : memref<6400xf32, #tpu.memory_space<hbm>>)
      tpu.yield
    }) : () -> ()
    %add3A_183 = arith.constant 44800 : i32
    %add3A_184 = arith.addi %mul3A_2, %add3A_183 : i32
    %multiple_of3A_185 = tpu.assume_multiple %add3A_184, 6400 : i32
    "tpu.region"() ({
      %run_scoped3A = tpu.sem_alloc : memref<!tpu.dma_semaphore, #tpu.memory_space<semaphore_mem>>
      %dma_start3A_223 = tpu.memref_slice %arg2[%multiple_of3A_185] : memref<1638400xi32, #tpu.memory_space<hbm>> -> memref<6400xi32, #tpu.memory_space<hbm>>
      %dma_start3A_224 = tpu.memref_slice %arg2[%multiple_of3A_185] : memref<1638400xi32, #tpu.memory_space<hbm>> -> memref<6400xi32, #tpu.memory_space<hbm>>
      tpu.enqueue_dma source(%dma_start3A_224 : memref<6400xi32, #tpu.memory_space<hbm>>) target(%arg6 : memref<6400xi32, #tpu.memory_space<vmem>>) target_semaphore(%run_scoped3A : memref<!tpu.dma_semaphore, #tpu.memory_space<semaphore_mem>>)
      %dma_wait3A_225 = tpu.memref_slice %arg2[%multiple_of3A_185] : memref<1638400xi32, #tpu.memory_space<hbm>> -> memref<6400xi32, #tpu.memory_space<hbm>>
      %dma_wait3A_226 = tpu.memref_slice %arg2[%multiple_of3A_185] : memref<1638400xi32, #tpu.memory_space<hbm>> -> memref<6400xi32, #tpu.memory_space<hbm>>
      tpu.wait_dma2 semaphore(%run_scoped3A : memref<!tpu.dma_semaphore, #tpu.memory_space<semaphore_mem>>) src(%dma_wait3A_226 : memref<6400xi32, #tpu.memory_space<hbm>>) dst(%arg6 : memref<6400xi32, #tpu.memory_space<vmem>>)
      tpu.yield
    }) : () -> ()
    %scan3A_186 = arith.constant 0 : i32
    %scan3A_187 = arith.constant 0 : i32
    %scan3A_188 = arith.constant 400 : i32
    %scan3A_189 = arith.addi %scan3A_187, %scan3A_188 : i32
    %scan3A_190 = arith.constant 1 : i32
    %scan3A_191 = scf.for %scan3A_223 = %scan3A_187 to %scan3A_189 step %scan3A_190 iter_args(%scan3A_224 = %scan3A_186) -> (i32)  : i32 {
      %mul3A_225 = arith.constant 16 : i32
      %mul3A_226 = arith.muli %scan3A_223, %mul3A_225 : i32
      %multiple_of3A_227 = tpu.assume_multiple %mul3A_226, 16 : i32
      %mul3A_228 = arith.constant 16 : i32
      %mul3A_229 = arith.muli %scan3A_223, %mul3A_228 : i32
      %add3A_230 = arith.addi %multiple_of3A_185, %mul3A_229 : i32
      %add3A_231 = vector.broadcast %add3A_230 : i32 to vector<16xi32>
      %add3A_232 = arith.addi %iota3A, %add3A_231 : vector<16xi32>
      %shift_right_arithmetic3A = arith.constant 14 : i32
      %shift_right_arithmetic3A_233 = vector.broadcast %shift_right_arithmetic3A : i32 to vector<16xi32>
      %shift_right_arithmetic3A_234 = arith.shrsi %add3A_232, %shift_right_arithmetic3A_233 : vector<16xi32>
      %get3A = arith.index_cast %multiple_of3A_227 : i32 to index
      %get3A_235 = tpu.vector_load %arg6[%get3A] {strides = array<i32>} : memref<6400xi32, #tpu.memory_space<vmem>>, vector<16xi32>,
      %get3A_236 = vector.shape_cast %get3A_235 : vector<16xi32> to vector<16xi32>
      %shift_right_arithmetic3A_237 = arith.constant 7 : i32
      %shift_right_arithmetic3A_238 = vector.broadcast %shift_right_arithmetic3A_237 : i32 to vector<16xi32>
      %shift_right_arithmetic3A_239 = arith.shrsi %get3A_236, %shift_right_arithmetic3A_238 : vector<16xi32>
      %shift_left3A = arith.constant 10 : i32
      %shift_left3A_240 = vector.broadcast %shift_left3A : i32 to vector<16xi32>
      %shift_left3A_241 = arith.shli %shift_right_arithmetic3A_239, %shift_left3A_240 : vector<16xi32>
      %and3A = arith.constant 127 : i32
      %and3A_242 = vector.broadcast %and3A : i32 to vector<16xi32>
      %and3A_243 = arith.andi %get3A_236, %and3A_242 : vector<16xi32>
      %add3A_244 = arith.addi %shift_left3A_241, %and3A_243 : vector<16xi32>
      %shift_right_arithmetic3A_245 = arith.constant 3 : i32
      %shift_right_arithmetic3A_246 = vector.broadcast %shift_right_arithmetic3A_245 : i32 to vector<16xi32>
      %shift_right_arithmetic3A_247 = arith.shrsi %shift_right_arithmetic3A_234, %shift_right_arithmetic3A_246 : vector<16xi32>
      %mul3A_248 = arith.constant 800768 : i32
      %mul3A_249 = vector.broadcast %mul3A_248 : i32 to vector<16xi32>
      %mul3A_250 = arith.muli %shift_right_arithmetic3A_247, %mul3A_249 : vector<16xi32>
      %and3A_251 = arith.constant 7 : i32
      %and3A_252 = vector.broadcast %and3A_251 : i32 to vector<16xi32>
      %and3A_253 = arith.andi %shift_right_arithmetic3A_234, %and3A_252 : vector<16xi32>
      %shift_left3A_254 = arith.constant 7 : i32
      %shift_left3A_255 = vector.broadcast %shift_left3A_254 : i32 to vector<16xi32>
      %shift_left3A_256 = arith.shli %and3A_253, %shift_left3A_255 : vector<16xi32>
      %add3A_257 = arith.addi %mul3A_250, %shift_left3A_256 : vector<16xi32>
      %add3A_258 = arith.addi %add3A_244, %add3A_257 : vector<16xi32>
      %swap3A = arith.index_cast %multiple_of3A_227 : i32 to index
      %swap3A_259 = tpu.vector_load %arg10[%swap3A] {strides = array<i32>} : memref<6400xi32, #tpu.memory_space<vmem>>, vector<16xi32>,
      %swap3A_260 = vector.shape_cast %swap3A_259 : vector<16xi32> to vector<16xi32>
      %swap3A_261 = vector.shape_cast %add3A_258 : vector<16xi32> to vector<16xi32>
      tpu.vector_store %arg10[%swap3A], %swap3A_261 {strides = array<i32>} : memref<6400xi32, #tpu.memory_space<vmem>>, vector<16xi32>,
      %add3A_262 = arith.constant 10409984 : i32
      %add3A_263 = vector.broadcast %add3A_262 : i32 to vector<16xi32>
      %add3A_264 = arith.addi %add3A_258, %add3A_263 : vector<16xi32>
      %swap3A_265 = arith.index_cast %multiple_of3A_227 : i32 to index
      %swap3A_266 = tpu.vector_load %arg11[%swap3A_265] {strides = array<i32>} : memref<6400xi32, #tpu.memory_space<vmem>>, vector<16xi32>,
      %swap3A_267 = vector.shape_cast %swap3A_266 : vector<16xi32> to vector<16xi32>
      %swap3A_268 = vector.shape_cast %add3A_264 : vector<16xi32> to vector<16xi32>
      tpu.vector_store %arg11[%swap3A_265], %swap3A_268 {strides = array<i32>} : memref<6400xi32, #tpu.memory_space<vmem>>, vector<16xi32>,
      %add3A_269 = arith.constant 20819968 : i32
      %add3A_270 = vector.broadcast %add3A_269 : i32 to vector<16xi32>
      %add3A_271 = arith.addi %add3A_258, %add3A_270 : vector<16xi32>
      %swap3A_272 = arith.index_cast %multiple_of3A_227 : i32 to index
      %swap3A_273 = tpu.vector_load %arg12[%swap3A_272] {strides = array<i32>} : memref<6400xi32, #tpu.memory_space<vmem>>, vector<16xi32>,
      %swap3A_274 = vector.shape_cast %swap3A_273 : vector<16xi32> to vector<16xi32>
      %swap3A_275 = vector.shape_cast %add3A_271 : vector<16xi32> to vector<16xi32>
      tpu.vector_store %arg12[%swap3A_272], %swap3A_275 {strides = array<i32>} : memref<6400xi32, #tpu.memory_space<vmem>>, vector<16xi32>,
      %scan3A_276 = arith.constant 0 : i32
      scf.yield %scan3A_276 : i32
    }
    %scan3A_192 = arith.constant 400 : i32
    %dma_start3A_193 = arith.constant 0 : i32
    %dma_start3A_194 = tpu.memref_slice %arg3[%dma_start3A_193] : memref<31229952xf32, #tpu.memory_space<hbm>> -> memref<31229952xf32, #tpu.memory_space<hbm>>
    tpu.enqueue_indirect_dma source(%dma_start3A_194 : memref<31229952xf32, #tpu.memory_space<hbm>>) target(%arg16 : memref<6400xf32, #tpu.memory_space<vmem>>) offsets(%arg10 : memref<6400xi32, #tpu.memory_space<vmem>>) semaphore(%arg20 : memref<!tpu.dma_semaphore, #tpu.memory_space<semaphore_mem>>)
    %dma_start3A_195 = arith.constant 0 : i32
    %dma_start3A_196 = tpu.memref_slice %arg3[%dma_start3A_195] : memref<31229952xf32, #tpu.memory_space<hbm>> -> memref<31229952xf32, #tpu.memory_space<hbm>>
    tpu.enqueue_indirect_dma source(%dma_start3A_196 : memref<31229952xf32, #tpu.memory_space<hbm>>) target(%arg17 : memref<6400xf32, #tpu.memory_space<vmem>>) offsets(%arg11 : memref<6400xi32, #tpu.memory_space<vmem>>) semaphore(%arg20 : memref<!tpu.dma_semaphore, #tpu.memory_space<semaphore_mem>>)
    %dma_start3A_197 = arith.constant 0 : i32
    %dma_start3A_198 = tpu.memref_slice %arg3[%dma_start3A_197] : memref<31229952xf32, #tpu.memory_space<hbm>> -> memref<31229952xf32, #tpu.memory_space<hbm>>
    tpu.enqueue_indirect_dma source(%dma_start3A_198 : memref<31229952xf32, #tpu.memory_space<hbm>>) target(%arg18 : memref<6400xf32, #tpu.memory_space<vmem>>) offsets(%arg12 : memref<6400xi32, #tpu.memory_space<vmem>>) semaphore(%arg20 : memref<!tpu.dma_semaphore, #tpu.memory_space<semaphore_mem>>)
    %add3A_199 = arith.constant 38400 : i32
    %add3A_200 = arith.addi %mul3A_2, %add3A_199 : i32
    %dma_wait3A_201 = arith.constant 0 : i32
    %dma_wait3A_202 = tpu.memref_slice %arg3[%dma_wait3A_201] : memref<31229952xf32, #tpu.memory_space<hbm>> -> memref<31229952xf32, #tpu.memory_space<hbm>>
    tpu.wait_indirect_dma semaphore(%arg19 : memref<!tpu.dma_semaphore, #tpu.memory_space<semaphore_mem>>) src(%dma_wait3A_202 : memref<31229952xf32, #tpu.memory_space<hbm>>) dst(%arg13 : memref<6400xf32, #tpu.memory_space<vmem>>)
    %dma_wait3A_203 = arith.constant 0 : i32
    %dma_wait3A_204 = tpu.memref_slice %arg3[%dma_wait3A_203] : memref<31229952xf32, #tpu.memory_space<hbm>> -> memref<31229952xf32, #tpu.memory_space<hbm>>
    tpu.wait_indirect_dma semaphore(%arg19 : memref<!tpu.dma_semaphore, #tpu.memory_space<semaphore_mem>>) src(%dma_wait3A_204 : memref<31229952xf32, #tpu.memory_space<hbm>>) dst(%arg14 : memref<6400xf32, #tpu.memory_space<vmem>>)
    %dma_wait3A_205 = arith.constant 0 : i32
    %dma_wait3A_206 = tpu.memref_slice %arg3[%dma_wait3A_205] : memref<31229952xf32, #tpu.memory_space<hbm>> -> memref<31229952xf32, #tpu.memory_space<hbm>>
    tpu.wait_indirect_dma semaphore(%arg19 : memref<!tpu.dma_semaphore, #tpu.memory_space<semaphore_mem>>) src(%dma_wait3A_206 : memref<31229952xf32, #tpu.memory_space<hbm>>) dst(%arg15 : memref<6400xf32, #tpu.memory_space<vmem>>)
    "tpu.region"() ({
      %run_scoped3A = tpu.sem_alloc : memref<!tpu.dma_semaphore, #tpu.memory_space<semaphore_mem>>
      %dma_start3A_223 = tpu.memref_slice %arg4[%add3A_200] : memref<4915200xf32, #tpu.memory_space<hbm>> -> memref<6400xf32, #tpu.memory_space<hbm>>
      %dma_start3A_224 = tpu.memref_slice %arg4[%add3A_200] : memref<4915200xf32, #tpu.memory_space<hbm>> -> memref<6400xf32, #tpu.memory_space<hbm>>
      tpu.enqueue_dma source(%arg13 : memref<6400xf32, #tpu.memory_space<vmem>>) target(%dma_start3A_224 : memref<6400xf32, #tpu.memory_space<hbm>>) target_semaphore(%run_scoped3A : memref<!tpu.dma_semaphore, #tpu.memory_space<semaphore_mem>>)
      %dma_wait3A_225 = tpu.memref_slice %arg4[%add3A_200] : memref<4915200xf32, #tpu.memory_space<hbm>> -> memref<6400xf32, #tpu.memory_space<hbm>>
      %dma_wait3A_226 = tpu.memref_slice %arg4[%add3A_200] : memref<4915200xf32, #tpu.memory_space<hbm>> -> memref<6400xf32, #tpu.memory_space<hbm>>
      tpu.wait_dma2 semaphore(%run_scoped3A : memref<!tpu.dma_semaphore, #tpu.memory_space<semaphore_mem>>) src(%arg13 : memref<6400xf32, #tpu.memory_space<vmem>>) dst(%dma_wait3A_226 : memref<6400xf32, #tpu.memory_space<hbm>>)
      tpu.yield
    }) : () -> ()
    %add3A_207 = arith.constant 1638400 : i32
    %add3A_208 = arith.addi %add3A_207, %add3A_200 : i32
    "tpu.region"() ({
      %run_scoped3A = tpu.sem_alloc : memref<!tpu.dma_semaphore, #tpu.memory_space<semaphore_mem>>
      %dma_start3A_223 = tpu.memref_slice %arg4[%add3A_208] : memref<4915200xf32, #tpu.memory_space<hbm>> -> memref<6400xf32, #tpu.memory_space<hbm>>
      %dma_start3A_224 = tpu.memref_slice %arg4[%add3A_208] : memref<4915200xf32, #tpu.memory_space<hbm>> -> memref<6400xf32, #tpu.memory_space<hbm>>
      tpu.enqueue_dma source(%arg14 : memref<6400xf32, #tpu.memory_space<vmem>>) target(%dma_start3A_224 : memref<6400xf32, #tpu.memory_space<hbm>>) target_semaphore(%run_scoped3A : memref<!tpu.dma_semaphore, #tpu.memory_space<semaphore_mem>>)
      %dma_wait3A_225 = tpu.memref_slice %arg4[%add3A_208] : memref<4915200xf32, #tpu.memory_space<hbm>> -> memref<6400xf32, #tpu.memory_space<hbm>>
      %dma_wait3A_226 = tpu.memref_slice %arg4[%add3A_208] : memref<4915200xf32, #tpu.memory_space<hbm>> -> memref<6400xf32, #tpu.memory_space<hbm>>
      tpu.wait_dma2 semaphore(%run_scoped3A : memref<!tpu.dma_semaphore, #tpu.memory_space<semaphore_mem>>) src(%arg14 : memref<6400xf32, #tpu.memory_space<vmem>>) dst(%dma_wait3A_226 : memref<6400xf32, #tpu.memory_space<hbm>>)
      tpu.yield
    }) : () -> ()
    %add3A_209 = arith.constant 3276800 : i32
    %add3A_210 = arith.addi %add3A_209, %add3A_200 : i32
    "tpu.region"() ({
      %run_scoped3A = tpu.sem_alloc : memref<!tpu.dma_semaphore, #tpu.memory_space<semaphore_mem>>
      %dma_start3A_223 = tpu.memref_slice %arg4[%add3A_210] : memref<4915200xf32, #tpu.memory_space<hbm>> -> memref<6400xf32, #tpu.memory_space<hbm>>
      %dma_start3A_224 = tpu.memref_slice %arg4[%add3A_210] : memref<4915200xf32, #tpu.memory_space<hbm>> -> memref<6400xf32, #tpu.memory_space<hbm>>
      tpu.enqueue_dma source(%arg15 : memref<6400xf32, #tpu.memory_space<vmem>>) target(%dma_start3A_224 : memref<6400xf32, #tpu.memory_space<hbm>>) target_semaphore(%run_scoped3A : memref<!tpu.dma_semaphore, #tpu.memory_space<semaphore_mem>>)
      %dma_wait3A_225 = tpu.memref_slice %arg4[%add3A_210] : memref<4915200xf32, #tpu.memory_space<hbm>> -> memref<6400xf32, #tpu.memory_space<hbm>>
      %dma_wait3A_226 = tpu.memref_slice %arg4[%add3A_210] : memref<4915200xf32, #tpu.memory_space<hbm>> -> memref<6400xf32, #tpu.memory_space<hbm>>
      tpu.wait_dma2 semaphore(%run_scoped3A : memref<!tpu.dma_semaphore, #tpu.memory_space<semaphore_mem>>) src(%arg15 : memref<6400xf32, #tpu.memory_space<vmem>>) dst(%dma_wait3A_226 : memref<6400xf32, #tpu.memory_space<hbm>>)
      tpu.yield
    }) : () -> ()
    %add3A_211 = arith.constant 44800 : i32
    %add3A_212 = arith.addi %mul3A_2, %add3A_211 : i32
    %dma_wait3A_213 = arith.constant 0 : i32
    %dma_wait3A_214 = tpu.memref_slice %arg3[%dma_wait3A_213] : memref<31229952xf32, #tpu.memory_space<hbm>> -> memref<31229952xf32, #tpu.memory_space<hbm>>
    tpu.wait_indirect_dma semaphore(%arg20 : memref<!tpu.dma_semaphore, #tpu.memory_space<semaphore_mem>>) src(%dma_wait3A_214 : memref<31229952xf32, #tpu.memory_space<hbm>>) dst(%arg16 : memref<6400xf32, #tpu.memory_space<vmem>>)
    %dma_wait3A_215 = arith.constant 0 : i32
    %dma_wait3A_216 = tpu.memref_slice %arg3[%dma_wait3A_215] : memref<31229952xf32, #tpu.memory_space<hbm>> -> memref<31229952xf32, #tpu.memory_space<hbm>>
    tpu.wait_indirect_dma semaphore(%arg20 : memref<!tpu.dma_semaphore, #tpu.memory_space<semaphore_mem>>) src(%dma_wait3A_216 : memref<31229952xf32, #tpu.memory_space<hbm>>) dst(%arg17 : memref<6400xf32, #tpu.memory_space<vmem>>)
    %dma_wait3A_217 = arith.constant 0 : i32
    %dma_wait3A_218 = tpu.memref_slice %arg3[%dma_wait3A_217] : memref<31229952xf32, #tpu.memory_space<hbm>> -> memref<31229952xf32, #tpu.memory_space<hbm>>
    tpu.wait_indirect_dma semaphore(%arg20 : memref<!tpu.dma_semaphore, #tpu.memory_space<semaphore_mem>>) src(%dma_wait3A_218 : memref<31229952xf32, #tpu.memory_space<hbm>>) dst(%arg18 : memref<6400xf32, #tpu.memory_space<vmem>>)
    "tpu.region"() ({
      %run_scoped3A = tpu.sem_alloc : memref<!tpu.dma_semaphore, #tpu.memory_space<semaphore_mem>>
      %dma_start3A_223 = tpu.memref_slice %arg4[%add3A_212] : memref<4915200xf32, #tpu.memory_space<hbm>> -> memref<6400xf32, #tpu.memory_space<hbm>>
      %dma_start3A_224 = tpu.memref_slice %arg4[%add3A_212] : memref<4915200xf32, #tpu.memory_space<hbm>> -> memref<6400xf32, #tpu.memory_space<hbm>>
      tpu.enqueue_dma source(%arg16 : memref<6400xf32, #tpu.memory_space<vmem>>) target(%dma_start3A_224 : memref<6400xf32, #tpu.memory_space<hbm>>) target_semaphore(%run_scoped3A : memref<!tpu.dma_semaphore, #tpu.memory_space<semaphore_mem>>)
      %dma_wait3A_225 = tpu.memref_slice %arg4[%add3A_212] : memref<4915200xf32, #tpu.memory_space<hbm>> -> memref<6400xf32, #tpu.memory_space<hbm>>
      %dma_wait3A_226 = tpu.memref_slice %arg4[%add3A_212] : memref<4915200xf32, #tpu.memory_space<hbm>> -> memref<6400xf32, #tpu.memory_space<hbm>>
      tpu.wait_dma2 semaphore(%run_scoped3A : memref<!tpu.dma_semaphore, #tpu.memory_space<semaphore_mem>>) src(%arg16 : memref<6400xf32, #tpu.memory_space<vmem>>) dst(%dma_wait3A_226 : memref<6400xf32, #tpu.memory_space<hbm>>)
      tpu.yield
    }) : () -> ()
    %add3A_219 = arith.constant 1638400 : i32
    %add3A_220 = arith.addi %add3A_219, %add3A_212 : i32
    "tpu.region"() ({
      %run_scoped3A = tpu.sem_alloc : memref<!tpu.dma_semaphore, #tpu.memory_space<semaphore_mem>>
      %dma_start3A_223 = tpu.memref_slice %arg4[%add3A_220] : memref<4915200xf32, #tpu.memory_space<hbm>> -> memref<6400xf32, #tpu.memory_space<hbm>>
      %dma_start3A_224 = tpu.memref_slice %arg4[%add3A_220] : memref<4915200xf32, #tpu.memory_space<hbm>> -> memref<6400xf32, #tpu.memory_space<hbm>>
      tpu.enqueue_dma source(%arg17 : memref<6400xf32, #tpu.memory_space<vmem>>) target(%dma_start3A_224 : memref<6400xf32, #tpu.memory_space<hbm>>) target_semaphore(%run_scoped3A : memref<!tpu.dma_semaphore, #tpu.memory_space<semaphore_mem>>)
      %dma_wait3A_225 = tpu.memref_slice %arg4[%add3A_220] : memref<4915200xf32, #tpu.memory_space<hbm>> -> memref<6400xf32, #tpu.memory_space<hbm>>
      %dma_wait3A_226 = tpu.memref_slice %arg4[%add3A_220] : memref<4915200xf32, #tpu.memory_space<hbm>> -> memref<6400xf32, #tpu.memory_space<hbm>>
      tpu.wait_dma2 semaphore(%run_scoped3A : memref<!tpu.dma_semaphore, #tpu.memory_space<semaphore_mem>>) src(%arg17 : memref<6400xf32, #tpu.memory_space<vmem>>) dst(%dma_wait3A_226 : memref<6400xf32, #tpu.memory_space<hbm>>)
      tpu.yield
    }) : () -> ()
    %add3A_221 = arith.constant 3276800 : i32
    %add3A_222 = arith.addi %add3A_221, %add3A_212 : i32
    "tpu.region"() ({
      %run_scoped3A = tpu.sem_alloc : memref<!tpu.dma_semaphore, #tpu.memory_space<semaphore_mem>>
      %dma_start3A_223 = tpu.memref_slice %arg4[%add3A_222] : memref<4915200xf32, #tpu.memory_space<hbm>> -> memref<6400xf32, #tpu.memory_space<hbm>>
      %dma_start3A_224 = tpu.memref_slice %arg4[%add3A_222] : memref<4915200xf32, #tpu.memory_space<hbm>> -> memref<6400xf32, #tpu.memory_space<hbm>>
      tpu.enqueue_dma source(%arg18 : memref<6400xf32, #tpu.memory_space<vmem>>) target(%dma_start3A_224 : memref<6400xf32, #tpu.memory_space<hbm>>) target_semaphore(%run_scoped3A : memref<!tpu.dma_semaphore, #tpu.memory_space<semaphore_mem>>)
      %dma_wait3A_225 = tpu.memref_slice %arg4[%add3A_222] : memref<4915200xf32, #tpu.memory_space<hbm>> -> memref<6400xf32, #tpu.memory_space<hbm>>
      %dma_wait3A_226 = tpu.memref_slice %arg4[%add3A_222] : memref<4915200xf32, #tpu.memory_space<hbm>> -> memref<6400xf32, #tpu.memory_space<hbm>>
      tpu.wait_dma2 semaphore(%run_scoped3A : memref<!tpu.dma_semaphore, #tpu.memory_space<semaphore_mem>>) src(%arg18 : memref<6400xf32, #tpu.memory_space<vmem>>) dst(%dma_wait3A_226 : memref<6400xf32, #tpu.memory_space<hbm>>)
      tpu.yield
    }) : () -> ()
    return
  }
}

</mosaic_0001>

<sc_bundles>
// kernel: kernel.3.cloned.1.call-start
scs
__scs_entry_jumppad:
0x0: {  	(pc) =	sbr.rel $0x88, $3  }
0x1: {  	(tag) =	ssettag $0x0;
	lr =	simm.s32 $0x1  }
0x2: {  	[smem:$0x3F9F] =	sst lr;
	_ =	strace $0xD0000000  }
0x3: {  	_ = 	snop  }
0x4: {  	_ = 	snop  }
0x5: {  	_ = 	snop  }
0x6: {  	_ = 	snop  }
0x7: {  	_ = 	snop  }
__scs_overlays_trampoline_lowered:
0x8: {  	[smem:$0x3FAE] =	sst s0  }
0x9: {  	[smem:$0x3FAF] =	sst s1  }
0xa: {  	[smem:$0x3FB0] =	sst s2  }
0xb: {  	[smem:$0x3FB1] =	sst s3  }
0xc: {  	[smem:$0x3FB2] =	sst s4  }
0xd: {  	[smem:$0x3FB3] =	sst s5  }
0xe: {  	[smem:$0x3FB4] =	sst s6  }
0xf: {  	[smem:$0x3FB5] =	sst s7  }
0x10: {  	[smem:$0x3FB6] =	sst s8  }
0x11: {  	[smem:$0x3FB7] =	sst s9;
	s0 =	simm.s32 @!p0 $0x0  }
0x12: {  	s1 =	sld [smem:$0x3F9D];
	s0 =	simm.s32 @p0 $0x1  }
0x13: {  	[smem:$0x3FB8] =	sst s0;
	s0 =	simm.s32 @!p1 $0x0  }
0x14: {  	s2 =	sld [smem:$0x3F9C];
	s0 =	simm.s32 @p1 $0x1  }
0x15: {  	[smem:$0x3FB9] =	sst s0;
	s0 =	simm.s32 @!p2 $0x0  }
0x16: {  	s3 =	sld [smem:$0x3FDB];
	s0 =	simm.s32 @p2 $0x1  }
0x17: {  	s4 =	simm.s32 $0x1BF5;
	[smem:$0x3FBB] =	sst s0  }
0x18: {  	s0 =	sld [smem:$0x3F9E];
	_ =	swait.ge [sflag:s4], $0x0  }
0x19: {  	s7 =	sld [smem:$0x3F9F]  }
0x1a: {  	s8 =	sadd.s32 $0xFFFFE003, lr  }
0x1b: {  	s9 =	sadd.s32 $0xFFFFFEF7, lr;
	s5 =	simm.s32 $0xFFFFFFFF;
	p2 =	slt.u32 s8, $0xFFFFF086  }
0x1c: {  	p1 =	slt.u32 s9, $0xF7A;
	s5 =	simm.s32 @!p2 $0x0  }
0x1d: {  	s5 =	simm.s32 @p1 $0x1;
	p0 =	seq.s32 s7, s2  }
0x1e: {  	s7 =	smul.u32 @!p0 $0xF7A, s2;
	p2 =	seq.s32 @!p0 s5, $0x0  }
0x1f: {  	s9 =	smul.u32 $0xF7A, s1;
	s8 =	simm.s32 @!p0 $0x1BF5;
	p2 =	por !p2, p0  }
0x20: {  	[sflag:s8] =	ssyncset.s32 @!p0 $0xFFFFF086;
	s6 =	sadd.s32 @!p0 s3, s7;
	s7 =	simm.s32 @!p0 $0x108  }
0x21: {  	s3 =	sadd.s32 s3, s9;
	s6 =	sadd.s32 @!p0 $0x88, s6;
	s7 =	simm.s32 @p2 $0x1082  }
0x22: {  	[simem:s7], [sflag:s8] =	dma.local @!p0 [hbm:s6], $0xF7A  }
0x23: {  	s9 =	sor.u32 $0xD0000000, s2;
	s6 =	simm.s32 $0x108;
	_ =	swait.ge @!p0 [sflag:s8], $0x0  }
0x24: {  	s3 =	sadd.s32 $0x88, s3;
	s6 =	simm.s32 @!p1 $0x1082;
	[sflag:s4] =	ssyncset.s32 $0xFFFFF086  }
0x25: {  	[simem:s6], [sflag:s4] =	dma.local [hbm:s3], $0xF7A  }
0x26: {  	[smem:$0x3F9F] =	sst s1;
	(tag) =	ssettag s2;
	_ =	strace s9  }
0x27: {  	s1 =	sld [smem:$0x3FAF]  }
0x28: {  	s2 =	sld [smem:$0x3FB0]  }
0x29: {  	s4 =	sld [smem:$0x3FB2]  }
0x2a: {  	p0 =	seq.s32 s5, $0x0;
	s5 =	sld [smem:$0x3FB3]  }
0x2b: {  	s6 =	sld [smem:$0x3FB4]  }
0x2c: {  	s7 =	sld [smem:$0x3FB5]  }
0x2d: {  	s3 =	simm.s32 $0x108;
	s8 =	sld [smem:$0x3FB6]  }
0x2e: {  	s3 =	simm.s32 @!p0 $0x1082;
	s9 =	sld [smem:$0x3FB7]  }
0x2f: {  	lr =	sadd.s32 s0, s3;
	s0 =	sld [smem:$0x3FAE]  }
0x30: {  	s3 =	sld [smem:$0x3FB1]  }
0x31: {  	[smem:$0x3FBA] =	sst s10  }
0x32: {  	s10 =	sld [smem:$0x3FB8];
	_ =	sdelay $0x3  }
0x33: {  	p0 =	seq.s32 s10, $0x1;
	s10 =	sld [smem:$0x3FBA];
	_ =	sdelay $0x3  }
0x34: {  	[smem:$0x3FBA] =	sst s10  }
0x35: {  	s10 =	sld [smem:$0x3FB9];
	_ =	sdelay $0x3  }
0x36: {  	p1 =	seq.s32 s10, $0x1;
	s10 =	sld [smem:$0x3FBA];
	_ =	sdelay $0x3  }
0x37: {  	[smem:$0x3FBA] =	sst s10  }
0x38: {  	s10 =	sld [smem:$0x3FBB]  }
0x39: {  	_ = 	snop;
	(pc) =	sbr.ind lr, $3  }
0x3a: {  	_ = 	snop  }
0x3b: {  	_ = 	snop  }
0x3c: {  	p2 =	seq.s32 s10, $0x1;
	s10 =	sld [smem:$0x3FBA]  }
0x3d: {  	_ =	shalt  }
0x3e: {  	_ =	shalt  }
0x3f: {  	_ =	shalt  }
0x40: {  	_ =	shalt  }
0x41: {  	_ =	shalt  }
0x42: {  	_ =	shalt  }
0x43: {  	_ =	shalt  }
0x44: {  	_ =	shalt  }
0x45: {  	_ =	shalt  }
0x46: {  	_ =	shalt  }
0x47: {  	_ =	shalt  }
0x48: {  	_ =	shalt  }
0x49: {  	_ =	shalt  }
0x4a: {  	_ =	shalt  }
0x4b: {  	_ =	shalt  }
0x4c: {  	_ =	shalt  }
0x4d: {  	_ =	shalt  }
0x4e: {  	_ =	shalt  }
0x4f: {  	_ =	shalt  }
0x50: {  	_ =	shalt  }
0x51: {  	_ =	shalt  }
0x52: {  	_ =	shalt  }
0x53: {  	_ =	shalt  }
0x54: {  	_ =	shalt  }
0x55: {  	_ =	shalt  }
0x56: {  	_ =	shalt  }
0x57: {  	_ =	shalt  }
0x58: {  	_ =	shalt  }
0x59: {  	_ =	shalt  }
0x5a: {  	_ =	shalt  }
0x5b: {  	_ =	shalt  }
0x5c: {  	_ =	shalt  }
0x5d: {  	_ =	shalt  }
0x5e: {  	_ =	shalt  }
0x5f: {  	_ =	shalt  }
0x60: {  	_ =	shalt  }
0x61: {  	_ =	shalt  }
0x62: {  	_ =	shalt  }
0x63: {  	_ =	shalt  }
0x64: {  	_ =	shalt  }
0x65: {  	_ =	shalt  }
0x66: {  	_ =	shalt  }
0x67: {  	_ =	shalt  }
0x68: {  	_ =	shalt  }
0x69: {  	_ =	shalt  }
0x6a: {  	_ =	shalt  }
0x6b: {  	_ =	shalt  }
0x6c: {  	_ =	shalt  }
0x6d: {  	_ =	shalt  }
0x6e: {  	_ =	shalt  }
0x6f: {  	_ =	shalt  }
0x70: {  	_ =	shalt  }
0x71: {  	_ =	shalt  }
0x72: {  	_ =	shalt  }
0x73: {  	_ =	shalt  }
0x74: {  	_ =	shalt  }
0x75: {  	_ =	shalt  }
0x76: {  	_ =	shalt  }
0x77: {  	_ =	shalt  }
0x78: {  	_ =	shalt  }
0x79: {  	_ =	shalt  }
0x7a: {  	_ =	shalt  }
0x7b: {  	_ =	shalt  }
0x7c: {  	_ =	shalt  }
0x7d: {  	_ =	shalt  }
0x7e: {  	_ =	shalt  }
0x7f: {  	_ =	shalt  }
0x80: {  	_ =	shalt  }
0x81: {  	_ =	shalt  }
0x82: {  	_ =	shalt  }
0x83: {  	_ =	shalt  }
0x84: {  	_ =	shalt  }
0x85: {  	_ =	shalt  }
0x86: {  	_ =	shalt  }
0x87: {  	_ =	shalt  }
.Lfunc_end0:
.L_simem_size_0:
called_computation_lowered:
.L_overlay_start_0:
0x88: {  	s2 =	sld [smem:$0x3FD9]  }
0x89: {  	s3 =	sld [smem:$0x3FFE];
	_ =	sdelay $0x1  }
0x8a: {  	s1 =	srdreg.scid  }
0x8b: {  	s0 =	sand.u32 $0x1, s1  }
0x8c: {  	s17 =	sshll.u32 s0, $0xA;
	s2 =	sadd.s32 s3, s2  }
0x8d: {  	s2 =	sadd.s32 s2, s17  }
0x8e: {  	[smem:$0x3FC6] =	sst s2  }
0x8f: {  	_ = 	snop  }
0x90: {  	s2 =	sld [smem:$0x3FD0];
	(tm) =	ssettm $0x1  }
0x91: {  	s18 =	sld [smem:$0x3FFB];
	_ =	sdelay $0x3  }
0x92: {  	_ =	strace s18  }
0x93: {  	s3 =	sld [smem:$0x3FFC];
	_ =	sdelay $0x3  }
0x94: {  	_ =	strace s3  }
0x95: {  	s3 =	sld [smem:$0x3FFD];
	_ =	sdelay $0x3  }
0x96: {  	_ =	strace s3  }
0x97: {  	_ =	strace $0x8FFFFFFF  }
0x98: {  	s19 =	sld [smem:$0x3FDB];
	_ =	sdelay $0x1  }
0x99: {  	s4 =	simm.s32 $_scs_section_size  }
0x9a: {  	s5 =	simm.s32 $_size__tile_overlayer_lowered;
	s6 =	simm.s32 $_tile_overlayer_lowered  }
0x9b: {  	s22 =	simm.s32 $0x1BFF;
	s21 =	sshll.u32 s6, $0x1;
	s3 =	sadd.s32 s4, s19  }
0x9c: {  	s7 =	simm.s32 $0x0;
	s20 =	sshll.u32 s5, $0x1;
	s5 =	sadd.s32 s21, s3  }
0x9d: {  	[timem:s7], [sflag:s22] =	dma.local [hbm:s5], s20  }
0x9e: {  	_ =	swait.ge [sflag:s22], s20  }
0x9f: {  	s4 =	ssub.s32 $0x0, s20;
	[sflag:s22] =	ssyncset.done $0x0  }
0xa0: {  	[sflag:s22] =	ssyncadd.s32 s4;
	_ =	sdelay $0x1  }
0xa1: {  	s23 =	simm.s32 $0x1B8B  }
0xa2: {  	_ =	swait.ge [sflag:s23], $0x1  }
0xa3: {  	[sflag:s23] =	ssyncset.done $0x0  }
0xa4: {  	s25 =	simm.s32 $0x1B8E;
	s24 =	sld [smem:$0x3FFE];
	[sflag:s23] =	ssyncadd.s32 $0xFFFFFFFF  }
0xa5: {  	s26 =	simm.s32 $execute0_lowered;
	[smem:$0x3FD2] =	sst s25  }
0xa6: {  	s5 =	sshll.u32 s26, $0x1;
	_ =	strace $0x80000046;
	[dreg:$0x1] =	wrdreg $0xFFFFFFFF  }
0xa7: {  	s28 =	simm.s32 $_size_execute0_lowered;
	s3 =	sadd.s32 s3, s5;
	[dreg:$0x0] =	wrdreg $0x0  }
0xa8: {  	s5 =	sshll.u32 s28, $0x1;
	[dreg:$0x2] =	wrdreg s3  }
0xa9: {  	[dreg:$0x3] =	wrdreg s5  }
0xaa: {  	[dreg:$0x4] =	wrdreg $0xC0  }
0xab: {  	_ =	task [dreg:s7], $0x5FFFF  }
0xac: {  	[dreg:$0x1] =	wrdreg $0xFFFFFFFF  }
0xad: {  	[dreg:$0x0] =	wrdreg $0x60  }
0xae: {  	[dreg:$0x2] =	wrdreg s2  }
0xaf: {  	[dreg:$0x3] =	wrdreg s24  }
0xb0: {  	[dreg:$0x4] =	wrdreg $0x9  }
0xb1: {  	_ =	task.clear_ibuf [dreg:s7], $0x5FFFF;
	_ =	strace $0x90000046  }
0xb2: {  	s29 =	simm.s32 $0x9;
	_ =	strace $0x80000048  }
0xb3: {  	_ =	swait.ge [sflag:s29], $0x1  }
0xb4: {  	[sflag:s29] =	ssyncadd.s32 $0xFFFFFFFF  }
0xb5: {  	_ =	strace $0x90000048  }
0xb6: {  	_ =	sfence  }
0xb7: {  	s30 =	sld [smem:$0x0];
	_ =	sdelay $0x2  }
0xb8: {  	s31 =	sshll.u32 s1, $0xD;
	s1 =	sshrl.u32 s1, $0x2  }
0xb9: {  	s3 =	sand.u32 $0x4000, s31;
	s1 =	sadd.s32 s1, s30  }
0xba: {  	s0 =	sor.u32 s3, s0;
	s1 =	sshll.u32 s1, $0x11  }
0xbb: {  	s0 =	sor.u32 s1, s0  }
0xbc: {  	s0 =	sadd.s32 $0x8F2B, s0  }
0xbd: {  	[sflag:s0] =	ssyncadd.remote.s32 $0x1  }
0xbe: {  	_ =	sfence.sel $0xFFFF  }
0xbf: {  	[dreg:$0x0] =	wrdreg $0xFFFFFFFF;
	(pc) =	sbr.abs _section_cstart, $3  }
0xc0: {  	[dreg:$0x1] =	wrdreg $0xFFFFFFFF  }
0xc1: {  	_ =	task.clear_ibuf [dreg:s7], $0x2FFFF;
	_ =	strace $0x9FFFFFFF  }
0xc2: {  	(tm) =	ssettm $0x7FFFFFFF  }
0xc3: {  	_ =	shalt  }
tec
execute0_lowered:
.L_overlay_start_1:
0x0: {  	(tag) =	ssettag $0x1  }
0x1: {  	s1 =	srdreg.scid;
	s9 =	stileid.u32  }
0x2: {  	s1 =	sand.u32 $0x1, s1;
	s3 =	sshll.u32 s9, $0x1  }
0x3: {  	s3 =	sor.u32 s1, s3  }
0x4: {  	s0 =	rddreg [dreg:$0x0];
	s2 =	simm.s32 $0x0;
	s5 =	smul.u32 $0xC800, s3  }
0x5: {  	[smem:$0x7FF] =	sst s2  }
0x6: {  	s4 =	rddreg [dreg:$0x1];
	_ =	strace $0x80000047;
	s5 =	sshrl.u32 s5, $0x3  }
0x7: {  	s3 =	sadd.s32 $0x400, s4;
	s4 =	sadd.s32 $0x3B9600, s4;
	s8 =	sadd.s32 s0, s5  }
0x8: {  	s12 =	sadd.s32 $0x320, s5;
	s10 =	sadd.s32 s4, s5;
	[dreg:$0x3] =	wrdreg s8  }
0x9: {  	s6 =	ssub.s32 $0x2, s1;
	s13 =	sadd.s32 s0, s12;
	[dreg:$0x5] =	wrdreg s10  }
0xa: {  	s7 =	sshrl.u32 s6, $0x1;
	s14 =	sadd.s32 $0x32000, s10;
	[dreg:$0x4] =	wrdreg s13  }
0xb: {  	s16 =	sadd.s32 $0x640, s5;
	s15 =	sadd.s32 $0x64000, s10;
	[dreg:$0x6] =	wrdreg s14  }
0xc: {  	s6 =	ssub.s32 s6, s7;
	s11 =	sadd.s32 s0, s16;
	[dreg:$0x7] =	wrdreg s15  }
0xd: {  	s17 =	sadd.s32 $0x960, s5;
	s7 =	sadd.s32 s4, s12;
	[dreg:$0x8] =	wrdreg s11  }
0xe: {  	s18 =	sadd.s32 s0, s17;
	[dreg:$0x9] =	wrdreg s7  }
0xf: {  	s19 =	sadd.s32 $0xC80, s5;
	s8 =	sadd.s32 s4, s16;
	[dreg:$0xa] =	wrdreg s18  }
0x10: {  	s21 =	sadd.s32 $0xFA0, s5;
	s20 =	sadd.s32 s0, s19;
	[dreg:$0xb] =	wrdreg s8  }
0x11: {  	s23 =	sadd.s32 $0x12C0, s5;
	s22 =	sadd.s32 s0, s21;
	[dreg:$0xc] =	wrdreg s20  }
0x12: {  	s5 =	sadd.s32 $0x15E0, s5;
	s24 =	sadd.s32 s0, s23;
	[dreg:$0xe] =	wrdreg s22  }
0x13: {  	s0 =	sadd.s32 s0, s5;
	[dreg:$0x10] =	wrdreg s24  }
0x14: {  	s9 =	smul.u32 $0x19000, s9;
	s26 =	sadd.s32 s4, s23;
	[dreg:$0x12] =	wrdreg s0  }
0x15: {  	s25 =	smul.u32 $0xC800, s1;
	s12 =	smax.u32 s6, $0x1;
	[dreg:$0x13] =	wrdreg s26  }
0x16: {  	s16 =	sadd.s32 $0x64960, s10;
	[dreg:$0x17] =	wrdreg s12  }
0x17: {  	s23 =	sadd.s32 s25, s9;
	s25 =	sadd.s32 $0x655E0, s10;
	[dreg:$0x1b] =	wrdreg s16  }
0x18: {  	s7 =	sadd.s32 s4, s17;
	[smem:$0x7FC] =	sst s25  }
0x19: {  	s8 =	sadd.s32 s4, s19;
	[dreg:$0xd] =	wrdreg s7  }
0x1a: {  	s28 =	simm.s32 $0x11300;
	s11 =	sadd.s32 $0x64320, s10;
	[dreg:$0xf] =	wrdreg s8  }
0x1b: {  	s29 =	simm.s32 $0x9600;
	s13 =	sadd.s32 $0x32640, s10;
	[dreg:$0x16] =	wrdreg s11  }
0x1c: {  	s30 =	simm.s32 $0x12C00;
	s14 =	sadd.s32 $0x64640, s10;
	[dreg:$0x18] =	wrdreg s13  }
0x1d: {  	s31 =	simm.s32 $0xAF00;
	s15 =	sadd.s32 $0x32960, s10;
	[dreg:$0x19] =	wrdreg s14  }
0x1e: {  	s1 =	simm.s32 $0x14500;
	s17 =	sadd.s32 $0x32C80, s10;
	[dreg:$0x1a] =	wrdreg s15  }
0x1f: {  	s18 =	sadd.s32 $0x64C80, s10;
	s19 =	sadd.s32 $0x32FA0, s10;
	[dreg:$0x1c] =	wrdreg s17  }
0x20: {  	s20 =	sadd.s32 $0x64FA0, s10;
	s22 =	sadd.s32 $0x652C0, s10;
	[dreg:$0x1d] =	wrdreg s18  }
0x21: {  	s24 =	sadd.s32 $0x335E0, s10;
	s26 =	sadd.s32 $0x1900, s23;
	[dreg:$0x1e] =	wrdreg s19  }
0x22: {  	s12 =	sadd.s32 $0x4B00, s23;
	s16 =	sadd.s32 $0xAF00, s23;
	[dreg:$0x1f] =	wrdreg s20  }
0x23: {  	s25 =	simm.s32 $0xFA00;
	s0 =	simm.s32 $0x1;
	[smem:$0x7FA] =	sst s22  }
0x24: {  	s7 =	sadd.s32 s4, s21;
	s8 =	sadd.s32 $0x32320, s10;
	[smem:$0x7FB] =	sst s24  }
0x25: {  	s21 =	sadd.s32 $0x332C0, s10;
	[smem:$0x7FD] =	sst s26;
	s11 =	sadd.s32 $0x3200, s23  }
0x26: {  	s13 =	sadd.s32 $0x6400, s23;
	s14 =	sadd.s32 $0x7D00, s23;
	s15 =	sadd.s32 $0x9600, s23  }
0x27: {  	s17 =	simm.s32 $0x3;
	s18 =	simm.s32 $0x1900;
	s19 =	simm.s32 $0x3200  }
0x28: {  	s20 =	simm.s32 $0xC800;
	s22 =	simm.s32 $0xE100;
	[dreg:$0x11] =	wrdreg s7  }
0x29: {  	s24 =	simm.s32 $0x6400;
	s26 =	simm.s32 $0x7D00;
	[dreg:$0x15] =	wrdreg s8  }
0x2a: {  	s7 =	sadd.s32 s4, s5;
	[smem:$0x7F9] =	sst s21;
	s21 =	simm.s32 $0x4B00  }
0x2b: {  	s4 =	simm.s32 $0x2;
	s5 =	simm.s32 $0x0;
	[dreg:$0x14] =	wrdreg s7  }
.LBB2_1:
0x2c: {  	s6 =	rddreg [dreg:$0x3]  }
0x2d: {  	[tilespmem:s2], [sflag:$0x3] =	stream.linear.gather [hbm4b:s6+s2], $0x1900, $0x38;
	[tilespmem:$0x15E00] =	vst v63  }
0x2e: {  	_ =	swait.ge [sflag:s17], $0x1900  }
0x2f: {  	[sflag:s17] =	ssyncset.done $0x0  }
0x30: {  	s7 =	simm.s32 $0x0;
	v0 =	vmov s23;
	[sflag:s17] =	ssyncadd.s32 $0xFFFFE700  }
0x31: {  	v0 =	vshra.s32 v0, $0xE;
	v1 =	vld [tilespmem:s7+$0x0]  }
0x32: {  	v0 =	vbroadcast v0, $0x0;
	_ =	sdelay $0x1  }
0x33: {  	v2 =	vshrl.u32 v0, $0x3  }
0x34: {  	s10 =	sadd.s32 $0x10, s23;
	v0 =	vshll.u32 v0, $0x7;
	v2 =	vmul.u32 $0xC3800, v2  }
0x35: {  	s8 =	simm.s32 $0x10;
	v4 =	vmov s10;
	v0 =	vand.u32 $0x380, v0;
	v3 =	vshll.u32 v1, $0x3  }
0x36: {  	v2 =	vor.u32 v0, v2;
	v0 =	vld [tilespmem:s8+$0x0];
	v1 =	vand.u32 $0x7F, v1;
	v3 =	vand.u32 $0xFFFFFC00, v3  }
0x37: {  	v1 =	vor.u32 v1, v3;
	v3 =	vshra.s32 v4, $0xE  }
0x38: {  	v4 =	vadd.s32 v1, v2;
	v1 =	vbroadcast v3, $0x0  }
0x39: {  	s9 =	simm.s32 $0x80;
	s6 =	sadd.s32 $0x10, s10;
	[tilespmem:s7+$0x3200] =	vst v4;
	v2 =	vadd.s32 $0x9ED800, v4;
	v3 =	vadd.s32 $0x13DB000, v4  }
.LBB2_2:
0x3a: {  	v4 =	vmov s6;
	v5 =	vshrl.u32 v1, $0x3;
	[tilespmem:s7+$0x6400] =	vst v3;
	p0 =	sne.s32 s9, $0x63C0  }
.Ltmp0:
0x3b: {  	s10 =	sshra.s32 s9, $0x2;
	s9 =	sadd.s32 $0x40, s9;
	v1 =	vshll.u32 v1, $0x7;
	v3 =	vshll.u32 v0, $0x3;
	v5 =	vmul.u32 $0xC3800, v5;
	[tilespmem:s7+$0x4B00] =	vst v2;
	(pc) =	sbr.rel @p0 .LBB2_2-.Ltmp0, $4  }
0x3c: {  	v1 =	vand.u32 $0x380, v1;
	s7 =	smov.u32 s8;
	s8 =	smov.u32 s10;
	v2 =	vand.u32 $0xFFFFFC00, v3;
	v3 =	vand.u32 $0x7F, v0;
	v0 =	vld [tilespmem:s10+$0x0]  }
0x3d: {  	v4 =	vshra.s32 v4, $0xE;
	v2 =	vor.u32 v3, v2;
	v3 =	vor.u32 v1, v5  }
0x3e: {  	v1 =	vbroadcast v4, $0x0;
	v3 =	vadd.s32 v2, v3  }
0x3f: {  	s6 =	sadd.s32 $0x10, s6;
	[tilespmem:s7+$0x3200] =	vst v3;
	v2 =	vadd.s32 $0x9ED800, v3;
	v3 =	vadd.s32 $0x13DB000, v3  }
0x40: {  	v4 =	vshrl.u32 v1, $0x3  }
0x41: {  	v1 =	vshll.u32 v1, $0x7;
	v5 =	vshll.u32 v0, $0x3;
	v4 =	vmul.u32 $0xC3800, v4  }
0x42: {  	v0 =	vand.u32 $0x7F, v0;
	v1 =	vand.u32 $0x380, v1;
	v5 =	vand.u32 $0xFFFFFC00, v5  }
0x43: {  	[tilespmem:s7+$0x6400] =	vst v3;
	v0 =	vor.u32 v0, v5;
	v1 =	vor.u32 v1, v4  }
0x44: {  	[tilespmem:s7+$0x4B00] =	vst v2;
	v0 =	vadd.s32 v0, v1  }
0x45: {  	[tilespmem:s8+$0x3200] =	vst v0;
	v1 =	vadd.s32 $0x13DB000, v0  }
0x46: {  	v0 =	vadd.s32 $0x9ED800, v0;
	[tilespmem:s8+$0x6400] =	vst v1  }
0x47: {  	[tilespmem:s8+$0x4B00] =	vst v0  }
0x48: {  	[tilespmem:s20], [sflag:$0x1] =	stream.indirect.gather [hbm4b:s3+s18], $0x1, s19, s18, $0xb8;
	[tilespmem:$0x15E00] =	vst v63  }
0x49: {  	_ = 	snop  }
0x4a: {  	[tilespmem:s22], [sflag:$0x1] =	stream.indirect.gather [hbm4b:s3+s18], $0x1, s21, s18, $0xb8;
	[tilespmem:$0x15E00] =	vst v63  }
0x4b: {  	_ = 	snop  }
0x4c: {  	[tilespmem:s25], [sflag:$0x1] =	stream.indirect.gather [hbm4b:s3+s18], $0x1, s24, s18, $0xb8;
	[tilespmem:$0x15E00] =	vst v63  }
0x4d: {  	s6 =	simm.s32 $0x0;
	s9 =	rddreg [dreg:$0x4]  }
0x4e: {  	[tilespmem:s18], [sflag:$0x3] =	stream.linear.gather [hbm4b:s9+s6], $0x1900, $0x38;
	[tilespmem:$0x15E00] =	vst v63  }
0x4f: {  	_ =	swait.ge [sflag:s17], $0x1900  }
0x50: {  	s10 =	sld [smem:$0x7FD];
	_ =	sdelay $0x1  }
0x51: {  	[sflag:s17] =	ssyncset.done $0x0  }
0x52: {  	s7 =	simm.s32 $0x0;
	[sflag:s17] =	ssyncadd.s32 $0xFFFFE700;
	v0 =	vmov s10  }
0x53: {  	v1 =	vld [tilespmem:s7+$0x1900];
	v0 =	vshra.s32 v0, $0xE  }
0x54: {  	v0 =	vbroadcast v0, $0x0;
	_ =	sdelay $0x1  }
0x55: {  	v2 =	vshrl.u32 v0, $0x3  }
0x56: {  	s6 =	sadd.s32 $0x10, s10;
	v0 =	vshll.u32 v0, $0x7;
	v2 =	vmul.u32 $0xC3800, v2  }
0x57: {  	s8 =	simm.s32 $0x10;
	v4 =	vmov s6;
	v3 =	vshll.u32 v1, $0x3;
	v0 =	vand.u32 $0x380, v0  }
0x58: {  	v1 =	vand.u32 $0x7F, v1;
	v3 =	vand.u32 $0xFFFFFC00, v3;
	v2 =	vor.u32 v0, v2;
	v0 =	vld [tilespmem:s8+$0x1900]  }
0x59: {  	v1 =	vor.u32 v1, v3;
	v3 =	vshra.s32 v4, $0xE  }
0x5a: {  	v4 =	vadd.s32 v1, v2;
	v1 =	vbroadcast v3, $0x0  }
0x5b: {  	s9 =	simm.s32 $0x80;
	s6 =	sadd.s32 $0x10, s6;
	[tilespmem:s7+$0x7D00] =	vst v4;
	v2 =	vadd.s32 $0x9ED800, v4;
	v3 =	vadd.s32 $0x13DB000, v4  }
.LBB2_4:
0x5c: {  	v4 =	vmov s6;
	v5 =	vshrl.u32 v1, $0x3;
	[tilespmem:s7+$0xAF00] =	vst v3;
	p0 =	sne.s32 s9, $0x63C0  }
.Ltmp1:
0x5d: {  	s10 =	sshra.s32 s9, $0x2;
	s9 =	sadd.s32 $0x40, s9;
	v1 =	vshll.u32 v1, $0x7;
	v3 =	vshll.u32 v0, $0x3;
	v5 =	vmul.u32 $0xC3800, v5;
	[tilespmem:s7+$0x9600] =	vst v2;
	(pc) =	sbr.rel @p0 .LBB2_4-.Ltmp1, $4  }
0x5e: {  	v1 =	vand.u32 $0x380, v1;
	s7 =	smov.u32 s8;
	s8 =	smov.u32 s10;
	v2 =	vand.u32 $0xFFFFFC00, v3;
	v3 =	vand.u32 $0x7F, v0;
	v0 =	vld [tilespmem:s10+$0x1900]  }
0x5f: {  	v4 =	vshra.s32 v4, $0xE;
	v2 =	vor.u32 v3, v2;
	v3 =	vor.u32 v1, v5  }
0x60: {  	v1 =	vbroadcast v4, $0x0;
	v3 =	vadd.s32 v2, v3  }
0x61: {  	s6 =	sadd.s32 $0x10, s6;
	[tilespmem:s7+$0x7D00] =	vst v3;
	v2 =	vadd.s32 $0x9ED800, v3;
	v3 =	vadd.s32 $0x13DB000, v3  }
0x62: {  	v4 =	vshrl.u32 v1, $0x3  }
0x63: {  	v1 =	vshll.u32 v1, $0x7;
	v5 =	vshll.u32 v0, $0x3;
	v4 =	vmul.u32 $0xC3800, v4  }
0x64: {  	v0 =	vand.u32 $0x7F, v0;
	v1 =	vand.u32 $0x380, v1;
	v5 =	vand.u32 $0xFFFFFC00, v5  }
0x65: {  	[tilespmem:s7+$0xAF00] =	vst v3;
	v0 =	vor.u32 v0, v5;
	v1 =	vor.u32 v1, v4  }
0x66: {  	[tilespmem:s7+$0x9600] =	vst v2;
	v0 =	vadd.s32 v0, v1  }
0x67: {  	[tilespmem:s8+$0x7D00] =	vst v0;
	v1 =	vadd.s32 $0x13DB000, v0  }
0x68: {  	v0 =	vadd.s32 $0x9ED800, v0;
	[tilespmem:s8+$0xAF00] =	vst v1  }
0x69: {  	[tilespmem:s8+$0x9600] =	vst v0  }
0x6a: {  	[tilespmem:s28], [sflag:$0x2] =	stream.indirect.gather [hbm4b:s3+s18], $0x1, s26, s18, $0xb8;
	[tilespmem:$0x15E00] =	vst v63  }
0x6b: {  	_ = 	snop  }
0x6c: {  	[tilespmem:s30], [sflag:$0x2] =	stream.indirect.gather [hbm4b:s3+s18], $0x1, s29, s18, $0xb8;
	[tilespmem:$0x15E00] =	vst v63  }
0x6d: {  	_ = 	snop  }
0x6e: {  	[tilespmem:s1], [sflag:$0x2] =	stream.indirect.gather [hbm4b:s3+s18], $0x1, s31, s18, $0xb8;
	[tilespmem:$0x15E00] =	vst v63  }
0x6f: {  	_ =	swait.ge [sflag:s0], $0x1900  }
0x70: {  	[sflag:s0] =	ssyncset.done $0x0  }
0x71: {  	[sflag:s0] =	ssyncadd.s32 $0xFFFFE700  }
0x72: {  	_ =	swait.ge [sflag:s0], $0x1900  }
0x73: {  	[sflag:s0] =	ssyncset.done $0x0  }
0x74: {  	[sflag:s0] =	ssyncadd.s32 $0xFFFFE700  }
0x75: {  	_ =	swait.ge [sflag:s0], $0x1900  }
0x76: {  	[sflag:s0] =	ssyncset.done $0x0  }
0x77: {  	s6 =	simm.s32 $0x0;
	s9 =	rddreg [dreg:$0x5];
	[sflag:s0] =	ssyncadd.s32 $0xFFFFE700  }
0x78: {  	[hbm4b:s9+s6] =	stream.linear.scatter [tilespmem:s20], [sflag:$0x3], $0x1900, $0x38;
	[tilespmem:$0x15E00] =	vst v63  }
0x79: {  	_ =	swait.ge [sflag:s17], $0x1900  }
0x7a: {  	[sflag:s17] =	ssyncset.done $0x0  }
0x7b: {  	s10 =	rddreg [dreg:$0x6];
	[sflag:s17] =	ssyncadd.s32 $0xFFFFE700  }
0x7c: {  	[hbm4b:s10+s6] =	stream.linear.scatter [tilespmem:s22], [sflag:$0x3], $0x1900, $0x38;
	[tilespmem:$0x15E00] =	vst v63  }
0x7d: {  	_ =	swait.ge [sflag:s17], $0x1900  }
0x7e: {  	[sflag:s17] =	ssyncset.done $0x0  }
0x7f: {  	s8 =	rddreg [dreg:$0x7];
	[sflag:s17] =	ssyncadd.s32 $0xFFFFE700  }
0x80: {  	[hbm4b:s8+s6] =	stream.linear.scatter [tilespmem:s25], [sflag:$0x3], $0x1900, $0x38;
	[tilespmem:$0x15E00] =	vst v63  }
0x81: {  	_ =	swait.ge [sflag:s17], $0x1900  }
0x82: {  	[sflag:s17] =	ssyncset.done $0x0  }
0x83: {  	s9 =	rddreg [dreg:$0x8];
	[sflag:s17] =	ssyncadd.s32 $0xFFFFE700  }
0x84: {  	[tilespmem:s6], [sflag:$0x3] =	stream.linear.gather [hbm4b:s9+s6], $0x1900, $0x38;
	[tilespmem:$0x15E00] =	vst v63  }
0x85: {  	_ =	swait.ge [sflag:s17], $0x1900  }
0x86: {  	v0 =	vmov s11;
	[sflag:s17] =	ssyncset.done $0x0  }
0x87: {  	s7 =	simm.s32 $0x0;
	v0 =	vshra.s32 v0, $0xE;
	[sflag:s17] =	ssyncadd.s32 $0xFFFFE700  }
0x88: {  	v0 =	vbroadcast v0, $0x0;
	v1 =	vld [tilespmem:s7+$0x0];
	_ =	sdelay $0x1  }
0x89: {  	v2 =	vshrl.u32 v0, $0x3  }
0x8a: {  	v0 =	vshll.u32 v0, $0x7;
	v2 =	vmul.u32 $0xC3800, v2  }
0x8b: {  	v0 =	vand.u32 $0x380, v0  }
0x8c: {  	v2 =	vor.u32 v0, v2;
	s10 =	sadd.s32 $0x10, s11;
	s8 =	simm.s32 $0x10;
	v3 =	vshll.u32 v1, $0x3  }
0x8d: {  	v4 =	vmov s10;
	v0 =	vld [tilespmem:s8+$0x0];
	v1 =	vand.u32 $0x7F, v1;
	v3 =	vand.u32 $0xFFFFFC00, v3  }
0x8e: {  	v1 =	vor.u32 v1, v3;
	v3 =	vshra.s32 v4, $0xE  }
0x8f: {  	v4 =	vadd.s32 v1, v2;
	v1 =	vbroadcast v3, $0x0  }
0x90: {  	s9 =	simm.s32 $0x80;
	s6 =	sadd.s32 $0x10, s10;
	[tilespmem:s7+$0x3200] =	vst v4;
	v2 =	vadd.s32 $0x9ED800, v4;
	v3 =	vadd.s32 $0x13DB000, v4  }
.LBB2_6:
0x91: {  	v4 =	vmov s6;
	v5 =	vshrl.u32 v1, $0x3;
	[tilespmem:s7+$0x6400] =	vst v3;
	p0 =	sne.s32 s9, $0x63C0  }
.Ltmp2:
0x92: {  	s10 =	sshra.s32 s9, $0x2;
	s9 =	sadd.s32 $0x40, s9;
	v1 =	vshll.u32 v1, $0x7;
	v3 =	vshll.u32 v0, $0x3;
	v5 =	vmul.u32 $0xC3800, v5;
	[tilespmem:s7+$0x4B00] =	vst v2;
	(pc) =	sbr.rel @p0 .LBB2_6-.Ltmp2, $4  }
0x93: {  	v1 =	vand.u32 $0x380, v1;
	s7 =	smov.u32 s8;
	s8 =	smov.u32 s10;
	v2 =	vand.u32 $0xFFFFFC00, v3;
	v3 =	vand.u32 $0x7F, v0;
	v0 =	vld [tilespmem:s10+$0x0]  }
0x94: {  	v4 =	vshra.s32 v4, $0xE;
	v2 =	vor.u32 v3, v2;
	v3 =	vor.u32 v1, v5  }
0x95: {  	v1 =	vbroadcast v4, $0x0;
	v3 =	vadd.s32 v2, v3  }
0x96: {  	s6 =	sadd.s32 $0x10, s6;
	[tilespmem:s7+$0x3200] =	vst v3;
	v2 =	vadd.s32 $0x9ED800, v3;
	v3 =	vadd.s32 $0x13DB000, v3  }
0x97: {  	v4 =	vshrl.u32 v1, $0x3  }
0x98: {  	v1 =	vshll.u32 v1, $0x7;
	v5 =	vshll.u32 v0, $0x3;
	v4 =	vmul.u32 $0xC3800, v4  }
0x99: {  	v0 =	vand.u32 $0x7F, v0;
	v1 =	vand.u32 $0x380, v1;
	v5 =	vand.u32 $0xFFFFFC00, v5  }
0x9a: {  	[tilespmem:s7+$0x6400] =	vst v3;
	v0 =	vor.u32 v0, v5;
	v1 =	vor.u32 v1, v4  }
0x9b: {  	[tilespmem:s7+$0x4B00] =	vst v2;
	v0 =	vadd.s32 v0, v1  }
0x9c: {  	[tilespmem:s8+$0x3200] =	vst v0;
	v1 =	vadd.s32 $0x13DB000, v0  }
0x9d: {  	v0 =	vadd.s32 $0x9ED800, v0;
	[tilespmem:s8+$0x6400] =	vst v1  }
0x9e: {  	[tilespmem:s8+$0x4B00] =	vst v0  }
0x9f: {  	[tilespmem:s20], [sflag:$0x1] =	stream.indirect.gather [hbm4b:s3+s18], $0x1, s19, s18, $0xb8;
	[tilespmem:$0x15E00] =	vst v63  }
0xa0: {  	_ = 	snop  }
0xa1: {  	[tilespmem:s22], [sflag:$0x1] =	stream.indirect.gather [hbm4b:s3+s18], $0x1, s21, s18, $0xb8;
	[tilespmem:$0x15E00] =	vst v63  }
0xa2: {  	_ = 	snop  }
0xa3: {  	[tilespmem:s25], [sflag:$0x1] =	stream.indirect.gather [hbm4b:s3+s18], $0x1, s24, s18, $0xb8;
	[tilespmem:$0x15E00] =	vst v63  }
0xa4: {  	_ =	swait.ge [sflag:s4], $0x1900  }
0xa5: {  	[sflag:s4] =	ssyncset.done $0x0  }
0xa6: {  	[sflag:s4] =	ssyncadd.s32 $0xFFFFE700  }
0xa7: {  	_ =	swait.ge [sflag:s4], $0x1900  }
0xa8: {  	[sflag:s4] =	ssyncset.done $0x0  }
0xa9: {  	[sflag:s4] =	ssyncadd.s32 $0xFFFFE700  }
0xaa: {  	_ =	swait.ge [sflag:s4], $0x1900  }
0xab: {  	[sflag:s4] =	ssyncset.done $0x0  }
0xac: {  	s6 =	simm.s32 $0x0;
	s9 =	rddreg [dreg:$0x9];
	[sflag:s4] =	ssyncadd.s32 $0xFFFFE700  }
0xad: {  	[hbm4b:s9+s6] =	stream.linear.scatter [tilespmem:s28], [sflag:$0x3], $0x1900, $0x38;
	[tilespmem:$0x15E00] =	vst v63  }
0xae: {  	_ =	swait.ge [sflag:s17], $0x1900  }
0xaf: {  	[sflag:s17] =	ssyncset.done $0x0  }
0xb0: {  	s10 =	rddreg [dreg:$0x15];
	[sflag:s17] =	ssyncadd.s32 $0xFFFFE700  }
0xb1: {  	[hbm4b:s10+s6] =	stream.linear.scatter [tilespmem:s30], [sflag:$0x3], $0x1900, $0x38;
	[tilespmem:$0x15E00] =	vst v63  }
0xb2: {  	_ =	swait.ge [sflag:s17], $0x1900  }
0xb3: {  	[sflag:s17] =	ssyncset.done $0x0  }
0xb4: {  	s8 =	rddreg [dreg:$0x16];
	[sflag:s17] =	ssyncadd.s32 $0xFFFFE700  }
0xb5: {  	[hbm4b:s8+s6] =	stream.linear.scatter [tilespmem:s1], [sflag:$0x3], $0x1900, $0x38;
	[tilespmem:$0x15E00] =	vst v63  }
0xb6: {  	_ =	swait.ge [sflag:s17], $0x1900  }
0xb7: {  	[sflag:s17] =	ssyncset.done $0x0  }
0xb8: {  	s9 =	rddreg [dreg:$0xa];
	[sflag:s17] =	ssyncadd.s32 $0xFFFFE700  }
0xb9: {  	[tilespmem:s18], [sflag:$0x3] =	stream.linear.gather [hbm4b:s9+s6], $0x1900, $0x38;
	[tilespmem:$0x15E00] =	vst v63  }
0xba: {  	_ =	swait.ge [sflag:s17], $0x1900  }
0xbb: {  	v0 =	vmov s12;
	[sflag:s17] =	ssyncset.done $0x0  }
0xbc: {  	s7 =	simm.s32 $0x0;
	v0 =	vshra.s32 v0, $0xE;
	[sflag:s17] =	ssyncadd.s32 $0xFFFFE700  }
0xbd: {  	v0 =	vbroadcast v0, $0x0;
	v1 =	vld [tilespmem:s7+$0x1900];
	_ =	sdelay $0x1  }
0xbe: {  	v2 =	vshrl.u32 v0, $0x3  }
0xbf: {  	v0 =	vshll.u32 v0, $0x7;
	v2 =	vmul.u32 $0xC3800, v2  }
0xc0: {  	v0 =	vand.u32 $0x380, v0  }
0xc1: {  	v2 =	vor.u32 v0, v2;
	s10 =	sadd.s32 $0x10, s12;
	s8 =	simm.s32 $0x10;
	v3 =	vshll.u32 v1, $0x3  }
0xc2: {  	v4 =	vmov s10;
	v0 =	vld [tilespmem:s8+$0x1900];
	v1 =	vand.u32 $0x7F, v1;
	v3 =	vand.u32 $0xFFFFFC00, v3  }
0xc3: {  	v1 =	vor.u32 v1, v3;
	v3 =	vshra.s32 v4, $0xE  }
0xc4: {  	v4 =	vadd.s32 v1, v2;
	v1 =	vbroadcast v3, $0x0  }
0xc5: {  	s9 =	simm.s32 $0x80;
	s6 =	sadd.s32 $0x10, s10;
	[tilespmem:s7+$0x7D00] =	vst v4;
	v2 =	vadd.s32 $0x9ED800, v4;
	v3 =	vadd.s32 $0x13DB000, v4  }
.LBB2_8:
0xc6: {  	v4 =	vmov s6;
	v5 =	vshrl.u32 v1, $0x3;
	[tilespmem:s7+$0xAF00] =	vst v3;
	p0 =	sne.s32 s9, $0x63C0  }
.Ltmp3:
0xc7: {  	s10 =	sshra.s32 s9, $0x2;
	s9 =	sadd.s32 $0x40, s9;
	v1 =	vshll.u32 v1, $0x7;
	v3 =	vshll.u32 v0, $0x3;
	v5 =	vmul.u32 $0xC3800, v5;
	[tilespmem:s7+$0x9600] =	vst v2;
	(pc) =	sbr.rel @p0 .LBB2_8-.Ltmp3, $4  }
0xc8: {  	v1 =	vand.u32 $0x380, v1;
	s7 =	smov.u32 s8;
	s8 =	smov.u32 s10;
	v2 =	vand.u32 $0xFFFFFC00, v3;
	v3 =	vand.u32 $0x7F, v0;
	v0 =	vld [tilespmem:s10+$0x1900]  }
0xc9: {  	v4 =	vshra.s32 v4, $0xE;
	v2 =	vor.u32 v3, v2;
	v3 =	vor.u32 v1, v5  }
0xca: {  	v1 =	vbroadcast v4, $0x0;
	v3 =	vadd.s32 v2, v3  }
0xcb: {  	s6 =	sadd.s32 $0x10, s6;
	[tilespmem:s7+$0x7D00] =	vst v3;
	v2 =	vadd.s32 $0x9ED800, v3;
	v3 =	vadd.s32 $0x13DB000, v3  }
0xcc: {  	v4 =	vshrl.u32 v1, $0x3  }
0xcd: {  	v1 =	vshll.u32 v1, $0x7;
	v5 =	vshll.u32 v0, $0x3;
	v4 =	vmul.u32 $0xC3800, v4  }
0xce: {  	v0 =	vand.u32 $0x7F, v0;
	v1 =	vand.u32 $0x380, v1;
	v5 =	vand.u32 $0xFFFFFC00, v5  }
0xcf: {  	[tilespmem:s7+$0xAF00] =	vst v3;
	v0 =	vor.u32 v0, v5;
	v1 =	vor.u32 v1, v4  }
0xd0: {  	[tilespmem:s7+$0x9600] =	vst v2;
	v0 =	vadd.s32 v0, v1  }
0xd1: {  	[tilespmem:s8+$0x7D00] =	vst v0;
	v1 =	vadd.s32 $0x13DB000, v0  }
0xd2: {  	v0 =	vadd.s32 $0x9ED800, v0;
	[tilespmem:s8+$0xAF00] =	vst v1  }
0xd3: {  	[tilespmem:s8+$0x9600] =	vst v0  }
0xd4: {  	[tilespmem:s28], [sflag:$0x2] =	stream.indirect.gather [hbm4b:s3+s18], $0x1, s26, s18, $0xb8;
	[tilespmem:$0x15E00] =	vst v63  }
0xd5: {  	_ = 	snop  }
0xd6: {  	[tilespmem:s30], [sflag:$0x2] =	stream.indirect.gather [hbm4b:s3+s18], $0x1, s29, s18, $0xb8;
	[tilespmem:$0x15E00] =	vst v63  }
0xd7: {  	_ = 	snop  }
0xd8: {  	[tilespmem:s1], [sflag:$0x2] =	stream.indirect.gather [hbm4b:s3+s18], $0x1, s31, s18, $0xb8;
	[tilespmem:$0x15E00] =	vst v63  }
0xd9: {  	_ =	swait.ge [sflag:s0], $0x1900  }
0xda: {  	[sflag:s0] =	ssyncset.done $0x0  }
0xdb: {  	[sflag:s0] =	ssyncadd.s32 $0xFFFFE700  }
0xdc: {  	_ =	swait.ge [sflag:s0], $0x1900  }
0xdd: {  	[sflag:s0] =	ssyncset.done $0x0  }
0xde: {  	[sflag:s0] =	ssyncadd.s32 $0xFFFFE700  }
0xdf: {  	_ =	swait.ge [sflag:s0], $0x1900  }
0xe0: {  	[sflag:s0] =	ssyncset.done $0x0  }
0xe1: {  	s6 =	simm.s32 $0x0;
	s9 =	rddreg [dreg:$0xb];
	[sflag:s0] =	ssyncadd.s32 $0xFFFFE700  }
0xe2: {  	[hbm4b:s9+s6] =	stream.linear.scatter [tilespmem:s20], [sflag:$0x3], $0x1900, $0x38;
	[tilespmem:$0x15E00] =	vst v63  }
0xe3: {  	_ =	swait.ge [sflag:s17], $0x1900  }
0xe4: {  	[sflag:s17] =	ssyncset.done $0x0  }
0xe5: {  	s10 =	rddreg [dreg:$0x18];
	[sflag:s17] =	ssyncadd.s32 $0xFFFFE700  }
0xe6: {  	[hbm4b:s10+s6] =	stream.linear.scatter [tilespmem:s22], [sflag:$0x3], $0x1900, $0x38;
	[tilespmem:$0x15E00] =	vst v63  }
0xe7: {  	_ =	swait.ge [sflag:s17], $0x1900  }
0xe8: {  	[sflag:s17] =	ssyncset.done $0x0  }
0xe9: {  	s8 =	rddreg [dreg:$0x19];
	[sflag:s17] =	ssyncadd.s32 $0xFFFFE700  }
0xea: {  	[hbm4b:s8+s6] =	stream.linear.scatter [tilespmem:s25], [sflag:$0x3], $0x1900, $0x38;
	[tilespmem:$0x15E00] =	vst v63  }
0xeb: {  	_ =	swait.ge [sflag:s17], $0x1900  }
0xec: {  	[sflag:s17] =	ssyncset.done $0x0  }
0xed: {  	s9 =	rddreg [dreg:$0xc];
	[sflag:s17] =	ssyncadd.s32 $0xFFFFE700  }
0xee: {  	[tilespmem:s6], [sflag:$0x3] =	stream.linear.gather [hbm4b:s9+s6], $0x1900, $0x38;
	[tilespmem:$0x15E00] =	vst v63  }
0xef: {  	_ =	swait.ge [sflag:s17], $0x1900  }
0xf0: {  	v0 =	vmov s13;
	[sflag:s17] =	ssyncset.done $0x0  }
0xf1: {  	s7 =	simm.s32 $0x0;
	v0 =	vshra.s32 v0, $0xE;
	[sflag:s17] =	ssyncadd.s32 $0xFFFFE700  }
0xf2: {  	v0 =	vbroadcast v0, $0x0;
	v1 =	vld [tilespmem:s7+$0x0];
	_ =	sdelay $0x1  }
0xf3: {  	v2 =	vshrl.u32 v0, $0x3  }
0xf4: {  	v0 =	vshll.u32 v0, $0x7;
	v2 =	vmul.u32 $0xC3800, v2  }
0xf5: {  	v0 =	vand.u32 $0x380, v0  }
0xf6: {  	v2 =	vor.u32 v0, v2;
	s10 =	sadd.s32 $0x10, s13;
	s8 =	simm.s32 $0x10;
	v3 =	vshll.u32 v1, $0x3  }
0xf7: {  	v4 =	vmov s10;
	v0 =	vld [tilespmem:s8+$0x0];
	v1 =	vand.u32 $0x7F, v1;
	v3 =	vand.u32 $0xFFFFFC00, v3  }
0xf8: {  	v1 =	vor.u32 v1, v3;
	v3 =	vshra.s32 v4, $0xE  }
0xf9: {  	v4 =	vadd.s32 v1, v2;
	v1 =	vbroadcast v3, $0x0  }
0xfa: {  	s9 =	simm.s32 $0x80;
	s6 =	sadd.s32 $0x10, s10;
	[tilespmem:s7+$0x3200] =	vst v4;
	v2 =	vadd.s32 $0x9ED800, v4;
	v3 =	vadd.s32 $0x13DB000, v4  }
.LBB2_10:
0xfb: {  	v4 =	vmov s6;
	v5 =	vshrl.u32 v1, $0x3;
	[tilespmem:s7+$0x6400] =	vst v3;
	p0 =	sne.s32 s9, $0x63C0  }
.Ltmp4:
0xfc: {  	s10 =	sshra.s32 s9, $0x2;
	s9 =	sadd.s32 $0x40, s9;
	v1 =	vshll.u32 v1, $0x7;
	v3 =	vshll.u32 v0, $0x3;
	v5 =	vmul.u32 $0xC3800, v5;
	[tilespmem:s7+$0x4B00] =	vst v2;
	(pc) =	sbr.rel @p0 .LBB2_10-.Ltmp4, $4  }
0xfd: {  	v1 =	vand.u32 $0x380, v1;
	s7 =	smov.u32 s8;
	s8 =	smov.u32 s10;
	v2 =	vand.u32 $0xFFFFFC00, v3;
	v3 =	vand.u32 $0x7F, v0;
	v0 =	vld [tilespmem:s10+$0x0]  }
0xfe: {  	v4 =	vshra.s32 v4, $0xE;
	v2 =	vor.u32 v3, v2;
	v3 =	vor.u32 v1, v5  }
0xff: {  	v1 =	vbroadcast v4, $0x0;
	v3 =	vadd.s32 v2, v3  }
0x100: {  	s6 =	sadd.s32 $0x10, s6;
	[tilespmem:s7+$0x3200] =	vst v3;
	v2 =	vadd.s32 $0x9ED800, v3;
	v3 =	vadd.s32 $0x13DB000, v3  }
0x101: {  	v4 =	vshrl.u32 v1, $0x3  }
0x102: {  	v1 =	vshll.u32 v1, $0x7;
	v5 =	vshll.u32 v0, $0x3;
	v4 =	vmul.u32 $0xC3800, v4  }
0x103: {  	v0 =	vand.u32 $0x7F, v0;
	v1 =	vand.u32 $0x380, v1;
	v5 =	vand.u32 $0xFFFFFC00, v5  }
0x104: {  	[tilespmem:s7+$0x6400] =	vst v3;
	v0 =	vor.u32 v0, v5;
	v1 =	vor.u32 v1, v4  }
0x105: {  	[tilespmem:s7+$0x4B00] =	vst v2;
	v0 =	vadd.s32 v0, v1  }
0x106: {  	[tilespmem:s8+$0x3200] =	vst v0;
	v1 =	vadd.s32 $0x13DB000, v0  }
0x107: {  	v0 =	vadd.s32 $0x9ED800, v0;
	[tilespmem:s8+$0x6400] =	vst v1  }
0x108: {  	[tilespmem:s8+$0x4B00] =	vst v0  }
0x109: {  	[tilespmem:s20], [sflag:$0x1] =	stream.indirect.gather [hbm4b:s3+s18], $0x1, s19, s18, $0xb8;
	[tilespmem:$0x15E00] =	vst v63  }
0x10a: {  	_ = 	snop  }
0x10b: {  	[tilespmem:s22], [sflag:$0x1] =	stream.indirect.gather [hbm4b:s3+s18], $0x1, s21, s18, $0xb8;
	[tilespmem:$0x15E00] =	vst v63  }
0x10c: {  	_ = 	snop  }
0x10d: {  	[tilespmem:s25], [sflag:$0x1] =	stream.indirect.gather [hbm4b:s3+s18], $0x1, s24, s18, $0xb8;
	[tilespmem:$0x15E00] =	vst v63  }
0x10e: {  	_ =	swait.ge [sflag:s4], $0x1900  }
0x10f: {  	[sflag:s4] =	ssyncset.done $0x0  }
0x110: {  	[sflag:s4] =	ssyncadd.s32 $0xFFFFE700  }
0x111: {  	_ =	swait.ge [sflag:s4], $0x1900  }
0x112: {  	[sflag:s4] =	ssyncset.done $0x0  }
0x113: {  	[sflag:s4] =	ssyncadd.s32 $0xFFFFE700  }
0x114: {  	_ =	swait.ge [sflag:s4], $0x1900  }
0x115: {  	[sflag:s4] =	ssyncset.done $0x0  }
0x116: {  	s6 =	simm.s32 $0x0;
	s9 =	rddreg [dreg:$0xd];
	[sflag:s4] =	ssyncadd.s32 $0xFFFFE700  }
0x117: {  	[hbm4b:s9+s6] =	stream.linear.scatter [tilespmem:s28], [sflag:$0x3], $0x1900, $0x38;
	[tilespmem:$0x15E00] =	vst v63  }
0x118: {  	_ =	swait.ge [sflag:s17], $0x1900  }
0x119: {  	[sflag:s17] =	ssyncset.done $0x0  }
0x11a: {  	s10 =	rddreg [dreg:$0x1a];
	[sflag:s17] =	ssyncadd.s32 $0xFFFFE700  }
0x11b: {  	[hbm4b:s10+s6] =	stream.linear.scatter [tilespmem:s30], [sflag:$0x3], $0x1900, $0x38;
	[tilespmem:$0x15E00] =	vst v63  }
0x11c: {  	_ =	swait.ge [sflag:s17], $0x1900  }
0x11d: {  	[sflag:s17] =	ssyncset.done $0x0  }
0x11e: {  	s8 =	rddreg [dreg:$0x1b];
	[sflag:s17] =	ssyncadd.s32 $0xFFFFE700  }
0x11f: {  	[hbm4b:s8+s6] =	stream.linear.scatter [tilespmem:s1], [sflag:$0x3], $0x1900, $0x38;
	[tilespmem:$0x15E00] =	vst v63  }
0x120: {  	_ =	swait.ge [sflag:s17], $0x1900  }
0x121: {  	[sflag:s17] =	ssyncset.done $0x0  }
0x122: {  	s9 =	rddreg [dreg:$0xe];
	[sflag:s17] =	ssyncadd.s32 $0xFFFFE700  }
0x123: {  	[tilespmem:s18], [sflag:$0x3] =	stream.linear.gather [hbm4b:s9+s6], $0x1900, $0x38;
	[tilespmem:$0x15E00] =	vst v63  }
0x124: {  	_ =	swait.ge [sflag:s17], $0x1900  }
0x125: {  	v0 =	vmov s14;
	[sflag:s17] =	ssyncset.done $0x0  }
0x126: {  	s7 =	simm.s32 $0x0;
	v0 =	vshra.s32 v0, $0xE;
	[sflag:s17] =	ssyncadd.s32 $0xFFFFE700  }
0x127: {  	v0 =	vbroadcast v0, $0x0;
	v1 =	vld [tilespmem:s7+$0x1900];
	_ =	sdelay $0x1  }
0x128: {  	v2 =	vshrl.u32 v0, $0x3  }
0x129: {  	v0 =	vshll.u32 v0, $0x7;
	v2 =	vmul.u32 $0xC3800, v2  }
0x12a: {  	v0 =	vand.u32 $0x380, v0  }
0x12b: {  	v2 =	vor.u32 v0, v2;
	s10 =	sadd.s32 $0x10, s14;
	s8 =	simm.s32 $0x10;
	v3 =	vshll.u32 v1, $0x3  }
0x12c: {  	v4 =	vmov s10;
	v0 =	vld [tilespmem:s8+$0x1900];
	v1 =	vand.u32 $0x7F, v1;
	v3 =	vand.u32 $0xFFFFFC00, v3  }
0x12d: {  	v1 =	vor.u32 v1, v3;
	v3 =	vshra.s32 v4, $0xE  }
0x12e: {  	v4 =	vadd.s32 v1, v2;
	v1 =	vbroadcast v3, $0x0  }
0x12f: {  	s9 =	simm.s32 $0x80;
	s6 =	sadd.s32 $0x10, s10;
	[tilespmem:s7+$0x7D00] =	vst v4;
	v2 =	vadd.s32 $0x9ED800, v4;
	v3 =	vadd.s32 $0x13DB000, v4  }
.LBB2_12:
0x130: {  	v4 =	vmov s6;
	v5 =	vshrl.u32 v1, $0x3;
	[tilespmem:s7+$0xAF00] =	vst v3;
	p0 =	sne.s32 s9, $0x63C0  }
.Ltmp5:
0x131: {  	s10 =	sshra.s32 s9, $0x2;
	s9 =	sadd.s32 $0x40, s9;
	v1 =	vshll.u32 v1, $0x7;
	v3 =	vshll.u32 v0, $0x3;
	v5 =	vmul.u32 $0xC3800, v5;
	[tilespmem:s7+$0x9600] =	vst v2;
	(pc) =	sbr.rel @p0 .LBB2_12-.Ltmp5, $4  }
0x132: {  	v1 =	vand.u32 $0x380, v1;
	s7 =	smov.u32 s8;
	s8 =	smov.u32 s10;
	v2 =	vand.u32 $0xFFFFFC00, v3;
	v3 =	vand.u32 $0x7F, v0;
	v0 =	vld [tilespmem:s10+$0x1900]  }
0x133: {  	v4 =	vshra.s32 v4, $0xE;
	v2 =	vor.u32 v3, v2;
	v3 =	vor.u32 v1, v5  }
0x134: {  	v1 =	vbroadcast v4, $0x0;
	v3 =	vadd.s32 v2, v3  }
0x135: {  	s6 =	sadd.s32 $0x10, s6;
	[tilespmem:s7+$0x7D00] =	vst v3;
	v2 =	vadd.s32 $0x9ED800, v3;
	v3 =	vadd.s32 $0x13DB000, v3  }
0x136: {  	v4 =	vshrl.u32 v1, $0x3  }
0x137: {  	v1 =	vshll.u32 v1, $0x7;
	v5 =	vshll.u32 v0, $0x3;
	v4 =	vmul.u32 $0xC3800, v4  }
0x138: {  	v0 =	vand.u32 $0x7F, v0;
	v1 =	vand.u32 $0x380, v1;
	v5 =	vand.u32 $0xFFFFFC00, v5  }
0x139: {  	[tilespmem:s7+$0xAF00] =	vst v3;
	v0 =	vor.u32 v0, v5;
	v1 =	vor.u32 v1, v4  }
0x13a: {  	[tilespmem:s7+$0x9600] =	vst v2;
	v0 =	vadd.s32 v0, v1  }
0x13b: {  	[tilespmem:s8+$0x7D00] =	vst v0;
	v1 =	vadd.s32 $0x13DB000, v0  }
0x13c: {  	v0 =	vadd.s32 $0x9ED800, v0;
	[tilespmem:s8+$0xAF00] =	vst v1  }
0x13d: {  	[tilespmem:s8+$0x9600] =	vst v0  }
0x13e: {  	[tilespmem:s28], [sflag:$0x2] =	stream.indirect.gather [hbm4b:s3+s18], $0x1, s26, s18, $0xb8;
	[tilespmem:$0x15E00] =	vst v63  }
0x13f: {  	_ = 	snop  }
0x140: {  	[tilespmem:s30], [sflag:$0x2] =	stream.indirect.gather [hbm4b:s3+s18], $0x1, s29, s18, $0xb8;
	[tilespmem:$0x15E00] =	vst v63  }
0x141: {  	_ = 	snop  }
0x142: {  	[tilespmem:s1], [sflag:$0x2] =	stream.indirect.gather [hbm4b:s3+s18], $0x1, s31, s18, $0xb8;
	[tilespmem:$0x15E00] =	vst v63  }
0x143: {  	_ =	swait.ge [sflag:s0], $0x1900  }
0x144: {  	[sflag:s0] =	ssyncset.done $0x0  }
0x145: {  	[sflag:s0] =	ssyncadd.s32 $0xFFFFE700  }
0x146: {  	_ =	swait.ge [sflag:s0], $0x1900  }
0x147: {  	[sflag:s0] =	ssyncset.done $0x0  }
0x148: {  	[sflag:s0] =	ssyncadd.s32 $0xFFFFE700  }
0x149: {  	_ =	swait.ge [sflag:s0], $0x1900  }
0x14a: {  	[sflag:s0] =	ssyncset.done $0x0  }
0x14b: {  	s6 =	simm.s32 $0x0;
	s9 =	rddreg [dreg:$0xf];
	[sflag:s0] =	ssyncadd.s32 $0xFFFFE700  }
0x14c: {  	[hbm4b:s9+s6] =	stream.linear.scatter [tilespmem:s20], [sflag:$0x3], $0x1900, $0x38;
	[tilespmem:$0x15E00] =	vst v63  }
0x14d: {  	_ =	swait.ge [sflag:s17], $0x1900  }
0x14e: {  	[sflag:s17] =	ssyncset.done $0x0  }
0x14f: {  	s10 =	rddreg [dreg:$0x1c];
	[sflag:s17] =	ssyncadd.s32 $0xFFFFE700  }
0x150: {  	[hbm4b:s10+s6] =	stream.linear.scatter [tilespmem:s22], [sflag:$0x3], $0x1900, $0x38;
	[tilespmem:$0x15E00] =	vst v63  }
0x151: {  	_ =	swait.ge [sflag:s17], $0x1900  }
0x152: {  	[sflag:s17] =	ssyncset.done $0x0  }
0x153: {  	s8 =	rddreg [dreg:$0x1d];
	[sflag:s17] =	ssyncadd.s32 $0xFFFFE700  }
0x154: {  	[hbm4b:s8+s6] =	stream.linear.scatter [tilespmem:s25], [sflag:$0x3], $0x1900, $0x38;
	[tilespmem:$0x15E00] =	vst v63  }
0x155: {  	_ =	swait.ge [sflag:s17], $0x1900  }
0x156: {  	[sflag:s17] =	ssyncset.done $0x0  }
0x157: {  	s9 =	rddreg [dreg:$0x10];
	[sflag:s17] =	ssyncadd.s32 $0xFFFFE700  }
0x158: {  	[tilespmem:s6], [sflag:$0x3] =	stream.linear.gather [hbm4b:s9+s6], $0x1900, $0x38;
	[tilespmem:$0x15E00] =	vst v63  }
0x159: {  	_ =	swait.ge [sflag:s17], $0x1900  }
0x15a: {  	v0 =	vmov s15;
	[sflag:s17] =	ssyncset.done $0x0  }
0x15b: {  	s7 =	simm.s32 $0x0;
	v0 =	vshra.s32 v0, $0xE;
	[sflag:s17] =	ssyncadd.s32 $0xFFFFE700  }
0x15c: {  	v0 =	vbroadcast v0, $0x0;
	v1 =	vld [tilespmem:s7+$0x0];
	_ =	sdelay $0x1  }
0x15d: {  	v2 =	vshrl.u32 v0, $0x3  }
0x15e: {  	v0 =	vshll.u32 v0, $0x7;
	v2 =	vmul.u32 $0xC3800, v2  }
0x15f: {  	v0 =	vand.u32 $0x380, v0  }
0x160: {  	v2 =	vor.u32 v0, v2;
	s10 =	sadd.s32 $0x10, s15;
	s8 =	simm.s32 $0x10;
	v3 =	vshll.u32 v1, $0x3  }
0x161: {  	v4 =	vmov s10;
	v0 =	vld [tilespmem:s8+$0x0];
	v1 =	vand.u32 $0x7F, v1;
	v3 =	vand.u32 $0xFFFFFC00, v3  }
0x162: {  	v1 =	vor.u32 v1, v3;
	v3 =	vshra.s32 v4, $0xE  }
0x163: {  	v4 =	vadd.s32 v1, v2;
	v1 =	vbroadcast v3, $0x0  }
0x164: {  	s9 =	simm.s32 $0x80;
	s6 =	sadd.s32 $0x10, s10;
	[tilespmem:s7+$0x3200] =	vst v4;
	v2 =	vadd.s32 $0x9ED800, v4;
	v3 =	vadd.s32 $0x13DB000, v4  }
.LBB2_14:
0x165: {  	v4 =	vmov s6;
	v5 =	vshrl.u32 v1, $0x3;
	[tilespmem:s7+$0x6400] =	vst v3;
	p0 =	sne.s32 s9, $0x63C0  }
.Ltmp6:
0x166: {  	s10 =	sshra.s32 s9, $0x2;
	s9 =	sadd.s32 $0x40, s9;
	v1 =	vshll.u32 v1, $0x7;
	v3 =	vshll.u32 v0, $0x3;
	v5 =	vmul.u32 $0xC3800, v5;
	[tilespmem:s7+$0x4B00] =	vst v2;
	(pc) =	sbr.rel @p0 .LBB2_14-.Ltmp6, $4  }
0x167: {  	v1 =	vand.u32 $0x380, v1;
	s7 =	smov.u32 s8;
	s8 =	smov.u32 s10;
	v2 =	vand.u32 $0xFFFFFC00, v3;
	v3 =	vand.u32 $0x7F, v0;
	v0 =	vld [tilespmem:s10+$0x0]  }
0x168: {  	v4 =	vshra.s32 v4, $0xE;
	v2 =	vor.u32 v3, v2;
	v3 =	vor.u32 v1, v5  }
0x169: {  	v1 =	vbroadcast v4, $0x0;
	v3 =	vadd.s32 v2, v3  }
0x16a: {  	s6 =	sadd.s32 $0x10, s6;
	[tilespmem:s7+$0x3200] =	vst v3;
	v2 =	vadd.s32 $0x9ED800, v3;
	v3 =	vadd.s32 $0x13DB000, v3  }
0x16b: {  	v4 =	vshrl.u32 v1, $0x3  }
0x16c: {  	v1 =	vshll.u32 v1, $0x7;
	v5 =	vshll.u32 v0, $0x3;
	v4 =	vmul.u32 $0xC3800, v4  }
0x16d: {  	v0 =	vand.u32 $0x7F, v0;
	v1 =	vand.u32 $0x380, v1;
	v5 =	vand.u32 $0xFFFFFC00, v5  }
0x16e: {  	[tilespmem:s7+$0x6400] =	vst v3;
	v0 =	vor.u32 v0, v5;
	v1 =	vor.u32 v1, v4  }
0x16f: {  	[tilespmem:s7+$0x4B00] =	vst v2;
	v0 =	vadd.s32 v0, v1  }
0x170: {  	[tilespmem:s8+$0x3200] =	vst v0;
	v1 =	vadd.s32 $0x13DB000, v0  }
0x171: {  	v0 =	vadd.s32 $0x9ED800, v0;
	[tilespmem:s8+$0x6400] =	vst v1  }
0x172: {  	[tilespmem:s8+$0x4B00] =	vst v0  }
0x173: {  	[tilespmem:s20], [sflag:$0x1] =	stream.indirect.gather [hbm4b:s3+s18], $0x1, s19, s18, $0xb8;
	[tilespmem:$0x15E00] =	vst v63  }
0x174: {  	_ = 	snop  }
0x175: {  	[tilespmem:s22], [sflag:$0x1] =	stream.indirect.gather [hbm4b:s3+s18], $0x1, s21, s18, $0xb8;
	[tilespmem:$0x15E00] =	vst v63  }
0x176: {  	_ = 	snop  }
0x177: {  	[tilespmem:s25], [sflag:$0x1] =	stream.indirect.gather [hbm4b:s3+s18], $0x1, s24, s18, $0xb8;
	[tilespmem:$0x15E00] =	vst v63  }
0x178: {  	_ =	swait.ge [sflag:s4], $0x1900  }
0x179: {  	[sflag:s4] =	ssyncset.done $0x0  }
0x17a: {  	[sflag:s4] =	ssyncadd.s32 $0xFFFFE700  }
0x17b: {  	_ =	swait.ge [sflag:s4], $0x1900  }
0x17c: {  	[sflag:s4] =	ssyncset.done $0x0  }
0x17d: {  	[sflag:s4] =	ssyncadd.s32 $0xFFFFE700  }
0x17e: {  	_ =	swait.ge [sflag:s4], $0x1900  }
0x17f: {  	[sflag:s4] =	ssyncset.done $0x0  }
0x180: {  	s6 =	simm.s32 $0x0;
	s9 =	rddreg [dreg:$0x11];
	[sflag:s4] =	ssyncadd.s32 $0xFFFFE700  }
0x181: {  	[hbm4b:s9+s6] =	stream.linear.scatter [tilespmem:s28], [sflag:$0x3], $0x1900, $0x38;
	[tilespmem:$0x15E00] =	vst v63  }
0x182: {  	_ =	swait.ge [sflag:s17], $0x1900  }
0x183: {  	[sflag:s17] =	ssyncset.done $0x0  }
0x184: {  	s10 =	rddreg [dreg:$0x1e];
	[sflag:s17] =	ssyncadd.s32 $0xFFFFE700  }
0x185: {  	[hbm4b:s10+s6] =	stream.linear.scatter [tilespmem:s30], [sflag:$0x3], $0x1900, $0x38;
	[tilespmem:$0x15E00] =	vst v63  }
0x186: {  	_ =	swait.ge [sflag:s17], $0x1900  }
0x187: {  	[sflag:s17] =	ssyncset.done $0x0  }
0x188: {  	s8 =	rddreg [dreg:$0x1f];
	[sflag:s17] =	ssyncadd.s32 $0xFFFFE700  }
0x189: {  	[hbm4b:s8+s6] =	stream.linear.scatter [tilespmem:s1], [sflag:$0x3], $0x1900, $0x38;
	[tilespmem:$0x15E00] =	vst v63  }
0x18a: {  	_ =	swait.ge [sflag:s17], $0x1900  }
0x18b: {  	[sflag:s17] =	ssyncset.done $0x0  }
0x18c: {  	s9 =	rddreg [dreg:$0x12];
	[sflag:s17] =	ssyncadd.s32 $0xFFFFE700  }
0x18d: {  	[tilespmem:s18], [sflag:$0x3] =	stream.linear.gather [hbm4b:s9+s6], $0x1900, $0x38;
	[tilespmem:$0x15E00] =	vst v63  }
0x18e: {  	_ =	swait.ge [sflag:s17], $0x1900  }
0x18f: {  	v0 =	vmov s16;
	[sflag:s17] =	ssyncset.done $0x0  }
0x190: {  	s7 =	simm.s32 $0x0;
	v0 =	vshra.s32 v0, $0xE;
	[sflag:s17] =	ssyncadd.s32 $0xFFFFE700  }
0x191: {  	v0 =	vbroadcast v0, $0x0;
	v1 =	vld [tilespmem:s7+$0x1900];
	_ =	sdelay $0x1  }
0x192: {  	v2 =	vshrl.u32 v0, $0x3  }
0x193: {  	v0 =	vshll.u32 v0, $0x7;
	v2 =	vmul.u32 $0xC3800, v2  }
0x194: {  	v0 =	vand.u32 $0x380, v0  }
0x195: {  	v2 =	vor.u32 v0, v2;
	s10 =	sadd.s32 $0x10, s16;
	s8 =	simm.s32 $0x10;
	v3 =	vshll.u32 v1, $0x3  }
0x196: {  	v4 =	vmov s10;
	v0 =	vld [tilespmem:s8+$0x1900];
	v1 =	vand.u32 $0x7F, v1;
	v3 =	vand.u32 $0xFFFFFC00, v3  }
0x197: {  	v1 =	vor.u32 v1, v3;
	v3 =	vshra.s32 v4, $0xE  }
0x198: {  	v4 =	vadd.s32 v1, v2;
	v1 =	vbroadcast v3, $0x0  }
0x199: {  	s9 =	simm.s32 $0x80;
	s6 =	sadd.s32 $0x10, s10;
	[tilespmem:s7+$0x7D00] =	vst v4;
	v2 =	vadd.s32 $0x9ED800, v4;
	v3 =	vadd.s32 $0x13DB000, v4  }
.LBB2_16:
0x19a: {  	v4 =	vmov s6;
	v5 =	vshrl.u32 v1, $0x3;
	[tilespmem:s7+$0xAF00] =	vst v3;
	p0 =	sne.s32 s9, $0x63C0  }
.Ltmp7:
0x19b: {  	s10 =	sshra.s32 s9, $0x2;
	s9 =	sadd.s32 $0x40, s9;
	v1 =	vshll.u32 v1, $0x7;
	v3 =	vshll.u32 v0, $0x3;
	v5 =	vmul.u32 $0xC3800, v5;
	[tilespmem:s7+$0x9600] =	vst v2;
	(pc) =	sbr.rel @p0 .LBB2_16-.Ltmp7, $4  }
0x19c: {  	v1 =	vand.u32 $0x380, v1;
	s7 =	smov.u32 s8;
	s8 =	smov.u32 s10;
	v2 =	vand.u32 $0xFFFFFC00, v3;
	v3 =	vand.u32 $0x7F, v0;
	v0 =	vld [tilespmem:s10+$0x1900]  }
0x19d: {  	v4 =	vshra.s32 v4, $0xE;
	v2 =	vor.u32 v3, v2;
	v3 =	vor.u32 v1, v5  }
0x19e: {  	v1 =	vbroadcast v4, $0x0;
	v3 =	vadd.s32 v2, v3  }
0x19f: {  	s6 =	sadd.s32 $0x10, s6;
	[tilespmem:s7+$0x7D00] =	vst v3;
	v2 =	vadd.s32 $0x9ED800, v3;
	v3 =	vadd.s32 $0x13DB000, v3  }
0x1a0: {  	v4 =	vshrl.u32 v1, $0x3  }
0x1a1: {  	v62 =	vshll.u32 v1, $0x7;
	v5 =	vshll.u32 v0, $0x3;
	v4 =	vmul.u32 $0xC3800, v4  }
0x1a2: {  	v63 =	vand.u32 $0x7F, v0;
	v1 =	vand.u32 $0x380, v62;
	v5 =	vand.u32 $0xFFFFFC00, v5  }
0x1a3: {  	[tilespmem:s7+$0xAF00] =	vst v3;
	v0 =	vor.u32 v63, v5;
	v1 =	vor.u32 v1, v4  }
0x1a4: {  	[tilespmem:s7+$0x9600] =	vst v2;
	v0 =	vadd.s32 v0, v1  }
0x1a5: {  	[tilespmem:s8+$0x7D00] =	vst v0;
	v1 =	vadd.s32 $0x13DB000, v0  }
0x1a6: {  	v0 =	vadd.s32 $0x9ED800, v0;
	[tilespmem:s8+$0xAF00] =	vst v1  }
0x1a7: {  	[tilespmem:s8+$0x9600] =	vst v0  }
0x1a8: {  	[tilespmem:s28], [sflag:$0x2] =	stream.indirect.gather [hbm4b:s3+s18], $0x1, s26, s18, $0xb8;
	[tilespmem:$0x15E00] =	vst v63  }
0x1a9: {  	_ = 	snop  }
0x1aa: {  	[tilespmem:s30], [sflag:$0x2] =	stream.indirect.gather [hbm4b:s3+s18], $0x1, s29, s18, $0xb8;
	[tilespmem:$0x15E00] =	vst v63  }
0x1ab: {  	_ = 	snop  }
0x1ac: {  	[tilespmem:s1], [sflag:$0x2] =	stream.indirect.gather [hbm4b:s3+s18], $0x1, s31, s18, $0xb8;
	[tilespmem:$0x15E00] =	vst v63  }
0x1ad: {  	_ =	swait.ge [sflag:s0], $0x1900  }
0x1ae: {  	[sflag:s0] =	ssyncset.done $0x0  }
0x1af: {  	[sflag:s0] =	ssyncadd.s32 $0xFFFFE700  }
0x1b0: {  	_ =	swait.ge [sflag:s0], $0x1900  }
0x1b1: {  	[sflag:s0] =	ssyncset.done $0x0  }
0x1b2: {  	[sflag:s0] =	ssyncadd.s32 $0xFFFFE700  }
0x1b3: {  	_ =	swait.ge [sflag:s0], $0x1900  }
0x1b4: {  	[sflag:s0] =	ssyncset.done $0x0  }
0x1b5: {  	s6 =	rddreg [dreg:$0x13];
	[sflag:s0] =	ssyncadd.s32 $0xFFFFE700  }
0x1b6: {  	[hbm4b:s6+s2] =	stream.linear.scatter [tilespmem:s20], [sflag:$0x3], $0x1900, $0x38;
	[tilespmem:$0x15E00] =	vst v63  }
0x1b7: {  	_ =	swait.ge [sflag:s17], $0x1900  }
0x1b8: {  	s9 =	sld [smem:$0x7F9]  }
0x1b9: {  	[sflag:s17] =	ssyncset.done $0x0  }
0x1ba: {  	[sflag:s17] =	ssyncadd.s32 $0xFFFFE700  }
0x1bb: {  	[hbm4b:s9+s2] =	stream.linear.scatter [tilespmem:s22], [sflag:$0x3], $0x1900, $0x38;
	[tilespmem:$0x15E00] =	vst v63  }
0x1bc: {  	_ =	swait.ge [sflag:s17], $0x1900  }
0x1bd: {  	s10 =	sld [smem:$0x7FA]  }
0x1be: {  	[sflag:s17] =	ssyncset.done $0x0  }
0x1bf: {  	[sflag:s17] =	ssyncadd.s32 $0xFFFFE700  }
0x1c0: {  	[hbm4b:s10+s2] =	stream.linear.scatter [tilespmem:s25], [sflag:$0x3], $0x1900, $0x38;
	[tilespmem:$0x15E00] =	vst v63  }
0x1c1: {  	_ =	swait.ge [sflag:s17], $0x1900  }
0x1c2: {  	[sflag:s17] =	ssyncset.done $0x0  }
0x1c3: {  	[sflag:s17] =	ssyncadd.s32 $0xFFFFE700  }
0x1c4: {  	_ =	swait.ge [sflag:s4], $0x1900  }
0x1c5: {  	[sflag:s4] =	ssyncset.done $0x0  }
0x1c6: {  	[sflag:s4] =	ssyncadd.s32 $0xFFFFE700  }
0x1c7: {  	_ =	swait.ge [sflag:s4], $0x1900  }
0x1c8: {  	[sflag:s4] =	ssyncset.done $0x0  }
0x1c9: {  	[sflag:s4] =	ssyncadd.s32 $0xFFFFE700  }
0x1ca: {  	_ =	swait.ge [sflag:s4], $0x1900  }
0x1cb: {  	[sflag:s4] =	ssyncset.done $0x0  }
0x1cc: {  	s7 =	rddreg [dreg:$0x14];
	[sflag:s4] =	ssyncadd.s32 $0xFFFFE700  }
0x1cd: {  	[hbm4b:s7+s2] =	stream.linear.scatter [tilespmem:s28], [sflag:$0x3], $0x1900, $0x38;
	[tilespmem:$0x15E00] =	vst v63  }
0x1ce: {  	_ =	swait.ge [sflag:s17], $0x1900  }
0x1cf: {  	s8 =	sld [smem:$0x7FB]  }
0x1d0: {  	[sflag:s17] =	ssyncset.done $0x0  }
0x1d1: {  	[sflag:s17] =	ssyncadd.s32 $0xFFFFE700  }
0x1d2: {  	[hbm4b:s8+s2] =	stream.linear.scatter [tilespmem:s30], [sflag:$0x3], $0x1900, $0x38;
	[tilespmem:$0x15E00] =	vst v63  }
0x1d3: {  	_ =	swait.ge [sflag:s17], $0x1900  }
0x1d4: {  	s9 =	sld [smem:$0x7FC]  }
0x1d5: {  	[sflag:s17] =	ssyncset.done $0x0  }
0x1d6: {  	[sflag:s17] =	ssyncadd.s32 $0xFFFFE700  }
0x1d7: {  	[hbm4b:s9+s2] =	stream.linear.scatter [tilespmem:s1], [sflag:$0x3], $0x1900, $0x38;
	[tilespmem:$0x15E00] =	vst v63  }
0x1d8: {  	_ =	swait.ge [sflag:s17], $0x1900  }
0x1d9: {  	s5 =	sadd.s32 $0x1, s5;
	s10 =	rddreg [dreg:$0x17]  }
0x1da: {  	p0 =	sne.s32 s5, s10  }
.Ltmp8:
0x1db: {  	_ = 	snop;
	(pc) =	sbr.rel @p0 .LBB2_1-.Ltmp8, $3  }
0x1dc: {  	_ =	sdelay $0x1  }
0x1dd: {  	[sflag:s17] =	ssyncset.done $0x0  }
0x1de: {  	[sflag:s17] =	ssyncadd.s32 $0xFFFFE700  }
0x1df: {  	_ =	sfence.sel $0x180000  }
0x1e0: {  	[bflag:$0x0] =	sbarrier.arrive $0xFFFF  }
0x1e1: {  	_ =	strace $0x90000047  }
0x1e2: {  	s0 =	stileid.u32;
	[bflag:$0x2] =	sbarrier.arrive $0xFFFF  }
0x1e3: {  	p0 =	sne.s32 s0, $0x0;
	s0 =	rddreg [dreg:$0x2]  }
0x1e4: {  	s0 =	sadd.s32 @!p0 $0x100000, s0  }
0x1e5: {  	[sflag:s0] =	ssyncadd.tile.s32 @!p0 $0x1;
	_ =	shalt  }
.Lfunc_end2:
_tile_overlayer_lowered:
.L_overlay_start_2:
0x1e6: {  	(tag) =	ssettag $0x2  }
0x1e7: {  	s0 =	rddreg [dreg:$0x0];
	s2 =	stileid.u32  }
0x1e8: {  	s1 =	rddreg [dreg:$0x1];
	p0 =	sne.s32 s2, $0x0  }
0x1e9: {  	s3 =	rddreg [dreg:$0x2];
	[bflag:$0x3] =	sbarrier.arrive $0xFFFF;
	s2 =	simm.s32 @!p0 $0x1C03  }
0x1ea: {  	[timem:s3], [sflag:s2] =	dma.local @!p0 [hbm:s0], s1  }
0x1eb: {  	s0 =	simm.s32 @!p0 $0x3  }
0x1ec: {  	_ =	swait.ge @!p0 [sflag:s0], s1  }
0x1ed: {  	s1 =	ssub.s32 @!p0 $0x0, s1;
	[sflag:s0] =	ssyncset.done @!p0 $0x0  }
0x1ee: {  	[sflag:s0] =	ssyncadd.s32 @!p0 s1  }
0x1ef: {  	[bflag:$0x3] =	sbarrier.arrive $0xFFFF  }
0x1f0: {  	_ =	shalt  }

</sc_bundles>
